<compile_context>
chip_gen: v7x
topology: tpu7x:2x2x1
jax: 0.10.2.dev20260603
libtpu: 0.0.44.dev20260713+nightly
codegen_flags: <defaults>
</compile_context>

<pallas_src>
import functools

import jax
import jax.numpy as jnp
from jax import lax
from jax.experimental import pallas as pl
from jax.experimental.pallas import tpu as pltpu
from jax.experimental.pallas import tpu_sc as plsc

VOCAB = 1000000
DIM = 64
MAXLEN = 200
BATCH = 1024

NC = 2
NS = 16
NW = NC * NS
ROWS = BATCH * MAXLEN
RPW = ROWS // NW
CHUNK = 128
NCHUNK = RPW // CHUNK
NB = 2
LANES = 16
PEW = MAXLEN * DIM


def _pe_table():
    rows = jnp.arange(MAXLEN, dtype=jnp.float32)[:, None]
    cols = jnp.arange(DIM // 2, dtype=jnp.float32)[None, :]
    denom = jnp.power(10000.0, 2.0 * cols / DIM)
    ang = rows / denom
    pe = jnp.zeros((MAXLEN, DIM), dtype=jnp.float32)
    pe = pe.at[:, 0::2].set(jnp.sin(ang))
    pe = pe.at[:, 1::2].set(jnp.cos(ang))
    return pe


_MESH = plsc.VectorSubcoreMesh(
    core_axis_name="c", subcore_axis_name="s", num_cores=NC, num_subcores=NS
)


@functools.partial(
    pl.kernel,
    out_type=jax.ShapeDtypeStruct((ROWS, DIM), jnp.float32),
    mesh=_MESH,
    scratch_types=[
        pltpu.VMEM((RPW,), jnp.int32),
        pltpu.VMEM((RPW,), jnp.int32),
        pltpu.VMEM((RPW + LANES,), jnp.int32),
        pltpu.VMEM((PEW,), jnp.float32),
    ]
    + [pltpu.VMEM((CHUNK, 2 * DIM), jnp.float32) for _ in range(NB)]
    + [pltpu.VMEM((CHUNK, DIM), jnp.float32) for _ in range(NB)]
    + [pltpu.SemaphoreType.DMA for _ in range(2 * NB)],
    compiler_params=pltpu.CompilerParams(use_tc_tiling_on_sc=True),
)
def _emb_kernel(x_hbm, pe_hbm, tbl_hbm, out_hbm, idx_v, pair_v, hoff_v, pe_v,
                *bufs_sems):
    rows = bufs_sems[:NB]
    outs = bufs_sems[NB:2 * NB]
    gsem = bufs_sems[2 * NB:3 * NB]
    ssem = bufs_sems[3 * NB:]
    wid = lax.axis_index("s") * NC + lax.axis_index("c")
    base = wid * RPW

    pltpu.sync_copy(x_hbm.at[pl.ds(base, RPW)], idx_v)
    pltpu.sync_copy(pe_hbm, pe_v)

    @plsc.parallel_loop(0, RPW // LANES, unroll=4)
    def _pre(k):
        sl = pl.ds(k * LANES, LANES)
        v = idx_v[sl]
        pair_v[sl] = lax.shift_right_logical(v, 1)
        hoff_v[sl] = lax.shift_left(v & 1, 6)

    def fire_gather(j, b):
        pltpu.async_copy(
            tbl_hbm.at[pair_v.at[pl.ds(j * CHUNK, CHUNK)]], rows[b], gsem[b]
        )

    def wait_gather(j, b):
        pltpu.make_async_copy(
            tbl_hbm.at[pair_v.at[pl.ds(j * CHUNK, CHUNK)]], rows[b], gsem[b]
        ).wait()

    def out_slice(j):
        return out_hbm.at[pl.ds(base + j * CHUNK, CHUNK)]

    def fire_scatter(j, b):
        pltpu.async_copy(outs[b], out_slice(j), ssem[b])

    def wait_scatter(j, b):
        pltpu.make_async_copy(outs[b], out_slice(j), ssem[b]).wait()

    def select_add(j, b):
        jbase = j * CHUNK
        gbase = lax.rem(jbase, MAXLEN)

        @plsc.parallel_loop(0, CHUNK, unroll=2)
        def _row(r):
            h = hoff_v[pl.ds(jbase + r, LANES)][0]
            p = lax.rem(gbase + r, MAXLEN) * DIM
            for c in range(DIM // LANES):
                co = c * LANES
                outs[b][r, pl.ds(co, LANES)] = (
                    rows[b][r, pl.ds(h + co, LANES)]
                    + pe_v[pl.ds(p + co, LANES)]
                )

    fire_gather(0, 0)
    fire_gather(1, 1)
    for j in range(NB):
        wait_gather(j, j)
        select_add(j, j)
        fire_scatter(j, j)
        fire_gather(j + NB, j)

    @pl.loop(0, (NCHUNK - 2 * NB) // NB)
    def _grp(g):
        for b in range(NB):
            j = NB + g * NB + b
            wait_gather(j, b)
            wait_scatter(j - NB, b)
            select_add(j, b)
            fire_scatter(j, b)
            fire_gather(j + NB, b)

    for j in range(NCHUNK - NB, NCHUNK):
        b = j % NB
        wait_gather(j, b)
        wait_scatter(j - NB, b)
        select_add(j, b)
        fire_scatter(j, b)
    for j in range(NCHUNK - NB, NCHUNK):
        wait_scatter(j, j % NB)


def kernel(x, table):
    pe = _pe_table().reshape(-1)
    xf = x.reshape(-1)
    tbl = table.reshape(VOCAB // 2, 2 * DIM)
    out = _emb_kernel(xf, pe, tbl)
    return out.reshape(BATCH, MAXLEN, DIM)

# --- scband reference (transcript-rebuilt; emitter-appended) ---
"""Pipeline reference for scband-embedding-53455162966394 (READ-ONLY COPY).

The authoritative reference and input builder live on the scoring server;
editing this copy changes nothing except your own understanding.
"""

import jax, jax.numpy as jnp
import numpy as np

VOCAB = 1000000
DIM = 64
MAXLEN = 200
BATCH = 1024


def _pos_encodings(L, D):
    rows = jnp.arange(L, dtype=jnp.float32)[:, None]
    cols = jnp.arange(D // 2, dtype=jnp.float32)[None, :]
    denom = jnp.power(10000.0, 2.0 * cols / D)
    ang = rows / denom
    pe = jnp.zeros((L, D), dtype=jnp.float32)
    pe = pe.at[:, 0::2].set(jnp.sin(ang))
    pe = pe.at[:, 1::2].set(jnp.cos(ang))
    return pe


def setup_inputs(seed: int = 0):
    key = jax.random.key(seed)
    k1, k2 = jax.random.split(key)
    x = jax.random.randint(k1, (BATCH, MAXLEN), 0, VOCAB, dtype=jnp.int32)
    table = jax.random.normal(k2, (VOCAB, DIM), dtype=jnp.float32)
    return {"x": x, "table": table}


def reference(x, table):
    # embedding lookup (gather)
    emb = jnp.take(table, x, axis=0)  # [B, L, D]
    # sinusoidal positional encodings (buffer, computed at init in torch)
    pe = _pos_encodings(MAXLEN, DIM)  # [L, D]
    out = emb + pe[None, :, :]
    # dropout p=0.0 -> identity
    return out

if __name__ == "__main__":
    import jax
    _d = setup_inputs()
    print(jax.jit(kernel)(*tuple(_d.values())))

</pallas_src>

<mosaic_0001>
#map = affine_map<(d0, d1) -> (0)>
#map1 = affine_map<(d0, d1) -> (0, 0)>
module attributes {stable_mosaic.version = 14 : i64} {
  func.func @_emb_kernel(%arg0: i32, %arg1: i32, %arg2: memref<204800xi32, #tpu.memory_space<hbm>>, %arg3: memref<12800xf32, #tpu.memory_space<hbm>>, %arg4: memref<500000x128xf32, #tpu.memory_space<hbm>>, %arg5: memref<204800x64xf32, #tpu.memory_space<hbm>>, %arg6: memref<6400xi32, #tpu.memory_space<vmem>>, %arg7: memref<6400xi32, #tpu.memory_space<vmem>>, %arg8: memref<6416xi32, #tpu.memory_space<vmem>>, %arg9: memref<12800xf32, #tpu.memory_space<vmem>>, %arg10: memref<128x128xf32, #tpu.memory_space<vmem>>, %arg11: memref<128x128xf32, #tpu.memory_space<vmem>>, %arg12: memref<128x64xf32, #tpu.memory_space<vmem>>, %arg13: memref<128x64xf32, #tpu.memory_space<vmem>>, %arg14: memref<!tpu.dma_semaphore, #tpu.memory_space<semaphore_mem>>, %arg15: memref<!tpu.dma_semaphore, #tpu.memory_space<semaphore_mem>>, %arg16: memref<!tpu.dma_semaphore, #tpu.memory_space<semaphore_mem>>, %arg17: memref<!tpu.dma_semaphore, #tpu.memory_space<semaphore_mem>>) attributes {dimension_semantics = [#tpu.dimension_semantics<core_parallel>, #tpu.dimension_semantics<subcore_parallel>], iteration_bounds = array<i64: 2, 16>, scalar_prefetch = 0 : i64, scratch_operands = 12 : i64, tpu.core_type = #tpu.core_type<sc_vector_subcore>, window_params = [{transform_indices = #map}, {transform_indices = #map}, {transform_indices = #map1}, {transform_indices = #map1}]} {
    %mul3A = arith.constant 2 : i32
    %mul3A_0 = arith.muli %arg1, %mul3A : i32
    %add3A = arith.addi %mul3A_0, %arg0 : i32
    %mul3A_1 = arith.constant 6400 : i32
    %mul3A_2 = arith.muli %add3A, %mul3A_1 : i32
    "tpu.region"() ({
      %run_scoped3A = tpu.sem_alloc : memref<!tpu.dma_semaphore, #tpu.memory_space<semaphore_mem>>
      %dma_start3A_118 = tpu.memref_slice %arg2[%mul3A_2] : memref<204800xi32, #tpu.memory_space<hbm>> -> memref<6400xi32, #tpu.memory_space<hbm>>
      %dma_start3A_119 = tpu.memref_slice %arg2[%mul3A_2] : memref<204800xi32, #tpu.memory_space<hbm>> -> memref<6400xi32, #tpu.memory_space<hbm>>
      tpu.enqueue_dma source(%dma_start3A_119 : memref<6400xi32, #tpu.memory_space<hbm>>) target(%arg6 : memref<6400xi32, #tpu.memory_space<vmem>>) target_semaphore(%run_scoped3A : memref<!tpu.dma_semaphore, #tpu.memory_space<semaphore_mem>>)
      %dma_wait3A_120 = tpu.memref_slice %arg2[%mul3A_2] : memref<204800xi32, #tpu.memory_space<hbm>> -> memref<6400xi32, #tpu.memory_space<hbm>>
      %dma_wait3A_121 = tpu.memref_slice %arg2[%mul3A_2] : memref<204800xi32, #tpu.memory_space<hbm>> -> memref<6400xi32, #tpu.memory_space<hbm>>
      tpu.wait_dma2 semaphore(%run_scoped3A : memref<!tpu.dma_semaphore, #tpu.memory_space<semaphore_mem>>) src(%dma_wait3A_121 : memref<6400xi32, #tpu.memory_space<hbm>>) dst(%arg6 : memref<6400xi32, #tpu.memory_space<vmem>>)
      tpu.yield
    }) : () -> ()
    "tpu.region"() ({
      %run_scoped3A = tpu.sem_alloc : memref<!tpu.dma_semaphore, #tpu.memory_space<semaphore_mem>>
      tpu.enqueue_dma source(%arg3 : memref<12800xf32, #tpu.memory_space<hbm>>) target(%arg9 : memref<12800xf32, #tpu.memory_space<vmem>>) target_semaphore(%run_scoped3A : memref<!tpu.dma_semaphore, #tpu.memory_space<semaphore_mem>>)
      tpu.wait_dma2 semaphore(%run_scoped3A : memref<!tpu.dma_semaphore, #tpu.memory_space<semaphore_mem>>) src(%arg3 : memref<12800xf32, #tpu.memory_space<hbm>>) dst(%arg9 : memref<12800xf32, #tpu.memory_space<vmem>>)
      tpu.yield
    }) : () -> ()
    %parallel_loop3A = arith.constant 0 : i32
    %parallel_loop3A_3 = arith.constant 400 : i32
    %parallel_loop3A_4 = arith.constant 1 : i32
    scf.for %parallel_loop3A_118 = %parallel_loop3A to %parallel_loop3A_3 step %parallel_loop3A_4  : i32 {
      %parallel_loop3A_119 = arith.constant 16 : i32
      %parallel_loop3A_120 = arith.muli %parallel_loop3A_118, %parallel_loop3A_119 : i32
      %parallel_loop3A_121 = arith.index_cast %parallel_loop3A_120 : i32 to index
      %parallel_loop3A_122 = tpu.vector_load %arg6[%parallel_loop3A_121] {strides = array<i32>} : memref<6400xi32, #tpu.memory_space<vmem>>, vector<16xi32>,
      %parallel_loop3A_123 = vector.shape_cast %parallel_loop3A_122 : vector<16xi32> to vector<16xi32>
      %parallel_loop3A_124 = arith.constant 1 : i32
      %parallel_loop3A_125 = vector.broadcast %parallel_loop3A_124 : i32 to vector<16xi32>
      %parallel_loop3A_126 = arith.shrui %parallel_loop3A_123, %parallel_loop3A_125 : vector<16xi32>
      %parallel_loop3A_127 = arith.index_cast %parallel_loop3A_120 : i32 to index
      %parallel_loop3A_128 = tpu.vector_load %arg7[%parallel_loop3A_127] {strides = array<i32>} : memref<6400xi32, #tpu.memory_space<vmem>>, vector<16xi32>,
      %parallel_loop3A_129 = vector.shape_cast %parallel_loop3A_128 : vector<16xi32> to vector<16xi32>
      %parallel_loop3A_130 = vector.shape_cast %parallel_loop3A_126 : vector<16xi32> to vector<16xi32>
      tpu.vector_store %arg7[%parallel_loop3A_127], %parallel_loop3A_130 {strides = array<i32>} : memref<6400xi32, #tpu.memory_space<vmem>>, vector<16xi32>,
      %parallel_loop3A_131 = arith.constant 1 : i32
      %parallel_loop3A_132 = vector.broadcast %parallel_loop3A_131 : i32 to vector<16xi32>
      %parallel_loop3A_133 = arith.andi %parallel_loop3A_123, %parallel_loop3A_132 : vector<16xi32>
      %parallel_loop3A_134 = arith.constant 6 : i32
      %parallel_loop3A_135 = vector.broadcast %parallel_loop3A_134 : i32 to vector<16xi32>
      %parallel_loop3A_136 = arith.shli %parallel_loop3A_133, %parallel_loop3A_135 : vector<16xi32>
      %parallel_loop3A_137 = arith.index_cast %parallel_loop3A_120 : i32 to index
      %parallel_loop3A_138 = tpu.vector_load %arg8[%parallel_loop3A_137] {strides = array<i32>} : memref<6416xi32, #tpu.memory_space<vmem>>, vector<16xi32>,
      %parallel_loop3A_139 = vector.shape_cast %parallel_loop3A_138 : vector<16xi32> to vector<16xi32>
      %parallel_loop3A_140 = vector.shape_cast %parallel_loop3A_136 : vector<16xi32> to vector<16xi32>
      tpu.vector_store %arg8[%parallel_loop3A_137], %parallel_loop3A_140 {strides = array<i32>} : memref<6416xi32, #tpu.memory_space<vmem>>, vector<16xi32>,
    } {sc.loop_unroll_factor = 4 : i64, sc.parallel_access}
    %dma_start3A = arith.constant 0 : i32
    %dma_start3A_5 = tpu.memref_slice %arg7[%dma_start3A] : memref<6400xi32, #tpu.memory_space<vmem>> -> memref<128xi32, #tpu.memory_space<vmem>>
    %dma_start3A_6 = arith.constant 0 : i32
    %dma_start3A_7 = arith.constant 0 : i32
    %dma_start3A_8 = tpu.memref_slice %arg4[%dma_start3A_6, %dma_start3A_7] : memref<500000x128xf32, #tpu.memory_space<hbm>> -> memref<500000x128xf32, #tpu.memory_space<hbm>>
    tpu.enqueue_indirect_dma source(%dma_start3A_8 : memref<500000x128xf32, #tpu.memory_space<hbm>>) target(%arg10 : memref<128x128xf32, #tpu.memory_space<vmem>>) offsets(%dma_start3A_5 : memref<128xi32, #tpu.memory_space<vmem>>) semaphore(%arg14 : memref<!tpu.dma_semaphore, #tpu.memory_space<semaphore_mem>>)
    %dma_start3A_9 = arith.constant 128 : i32
    %dma_start3A_10 = tpu.memref_slice %arg7[%dma_start3A_9] : memref<6400xi32, #tpu.memory_space<vmem>> -> memref<128xi32, #tpu.memory_space<vmem>>
    %dma_start3A_11 = arith.constant 0 : i32
    %dma_start3A_12 = arith.constant 0 : i32
    %dma_start3A_13 = tpu.memref_slice %arg4[%dma_start3A_11, %dma_start3A_12] : memref<500000x128xf32, #tpu.memory_space<hbm>> -> memref<500000x128xf32, #tpu.memory_space<hbm>>
    tpu.enqueue_indirect_dma source(%dma_start3A_13 : memref<500000x128xf32, #tpu.memory_space<hbm>>) target(%arg11 : memref<128x128xf32, #tpu.memory_space<vmem>>) offsets(%dma_start3A_10 : memref<128xi32, #tpu.memory_space<vmem>>) semaphore(%arg15 : memref<!tpu.dma_semaphore, #tpu.memory_space<semaphore_mem>>)
    %dma_wait3A = arith.constant 0 : i32
    %dma_wait3A_14 = tpu.memref_slice %arg7[%dma_wait3A] : memref<6400xi32, #tpu.memory_space<vmem>> -> memref<128xi32, #tpu.memory_space<vmem>>
    %dma_wait3A_15 = arith.constant 0 : i32
    %dma_wait3A_16 = arith.constant 0 : i32
    %dma_wait3A_17 = tpu.memref_slice %arg4[%dma_wait3A_15, %dma_wait3A_16] : memref<500000x128xf32, #tpu.memory_space<hbm>> -> memref<500000x128xf32, #tpu.memory_space<hbm>>
    tpu.wait_indirect_dma semaphore(%arg14 : memref<!tpu.dma_semaphore, #tpu.memory_space<semaphore_mem>>) src(%dma_wait3A_17 : memref<500000x128xf32, #tpu.memory_space<hbm>>) dst(%arg10 : memref<128x128xf32, #tpu.memory_space<vmem>>)
    %rem3A = arith.constant 0 : i32
    %rem3A_18 = arith.constant 200 : i32
    %rem3A_19 = arith.remsi %rem3A, %rem3A_18 : i32
    %parallel_loop3A_20 = arith.constant 0 : i32
    %parallel_loop3A_21 = arith.constant 128 : i32
    %parallel_loop3A_22 = arith.constant 1 : i32
    scf.for %parallel_loop3A_118 = %parallel_loop3A_20 to %parallel_loop3A_21 step %parallel_loop3A_22  : i32 {
      %parallel_loop3A_119 = arith.constant 0 : i32
      %parallel_loop3A_120 = arith.addi %parallel_loop3A_119, %parallel_loop3A_118 : i32
      %parallel_loop3A_121 = arith.index_cast %parallel_loop3A_120 : i32 to index
      %parallel_loop3A_122 = tpu.vector_load %arg8[%parallel_loop3A_121] {strides = array<i32>} : memref<6416xi32, #tpu.memory_space<vmem>>, vector<16xi32>,
      %parallel_loop3A_123 = vector.shape_cast %parallel_loop3A_122 : vector<16xi32> to vector<16xi32>
      %parallel_loop3A_124 = vector.extract_strided_slice %parallel_loop3A_123 {offsets = [0], sizes = [1], strides = [1]} : vector<16xi32> to vector<1xi32>
      %parallel_loop3A_125 = vector.extract %parallel_loop3A_124[0] : i32 from vector<1xi32>
      %parallel_loop3A_126 = arith.addi %rem3A_19, %parallel_loop3A_118 : i32
      %parallel_loop3A_127 = arith.constant 200 : i32
      %parallel_loop3A_128 = arith.remsi %parallel_loop3A_126, %parallel_loop3A_127 : i32
      %parallel_loop3A_129 = arith.constant 64 : i32
      %parallel_loop3A_130 = arith.muli %parallel_loop3A_128, %parallel_loop3A_129 : i32
      %parallel_loop3A_131 = arith.constant 0 : i32
      %parallel_loop3A_132 = arith.addi %parallel_loop3A_125, %parallel_loop3A_131 : i32
      %parallel_loop3A_133 = arith.index_cast %parallel_loop3A_118 : i32 to index
      %parallel_loop3A_134 = arith.index_cast %parallel_loop3A_132 : i32 to index
      %parallel_loop3A_135 = tpu.vector_load %arg10[%parallel_loop3A_133, %parallel_loop3A_134] {strides = array<i32>} : memref<128x128xf32, #tpu.memory_space<vmem>>, vector<1x16xf32>,
      %parallel_loop3A_136 = vector.shape_cast %parallel_loop3A_135 : vector<1x16xf32> to vector<16xf32>
      %parallel_loop3A_137 = arith.constant 0 : i32
      %parallel_loop3A_138 = arith.addi %parallel_loop3A_130, %parallel_loop3A_137 : i32
      %parallel_loop3A_139 = arith.index_cast %parallel_loop3A_138 : i32 to index
      %parallel_loop3A_140 = tpu.vector_load %arg9[%parallel_loop3A_139] {strides = array<i32>} : memref<12800xf32, #tpu.memory_space<vmem>>, vector<16xf32>,
      %parallel_loop3A_141 = vector.shape_cast %parallel_loop3A_140 : vector<16xf32> to vector<16xf32>
      %parallel_loop3A_142 = arith.addf %parallel_loop3A_136, %parallel_loop3A_141 : vector<16xf32>
      %parallel_loop3A_143 = arith.index_cast %parallel_loop3A_118 : i32 to index
      %parallel_loop3A_144 = arith.constant 0 : index
      %parallel_loop3A_145 = tpu.vector_load %arg12[%parallel_loop3A_143, %parallel_loop3A_144] {strides = array<i32>} : memref<128x64xf32, #tpu.memory_space<vmem>>, vector<1x16xf32>,
      %parallel_loop3A_146 = vector.shape_cast %parallel_loop3A_145 : vector<1x16xf32> to vector<16xf32>
      %parallel_loop3A_147 = vector.shape_cast %parallel_loop3A_142 : vector<16xf32> to vector<1x16xf32>
      tpu.vector_store %arg12[%parallel_loop3A_143, %parallel_loop3A_144], %parallel_loop3A_147 {strides = array<i32>} : memref<128x64xf32, #tpu.memory_space<vmem>>, vector<1x16xf32>,
      %parallel_loop3A_148 = arith.constant 16 : i32
      %parallel_loop3A_149 = arith.addi %parallel_loop3A_125, %parallel_loop3A_148 : i32
      %parallel_loop3A_150 = arith.index_cast %parallel_loop3A_118 : i32 to index
      %parallel_loop3A_151 = arith.index_cast %parallel_loop3A_149 : i32 to index
      %parallel_loop3A_152 = tpu.vector_load %arg10[%parallel_loop3A_150, %parallel_loop3A_151] {strides = array<i32>} : memref<128x128xf32, #tpu.memory_space<vmem>>, vector<1x16xf32>,
      %parallel_loop3A_153 = vector.shape_cast %parallel_loop3A_152 : vector<1x16xf32> to vector<16xf32>
      %parallel_loop3A_154 = arith.constant 16 : i32
      %parallel_loop3A_155 = arith.addi %parallel_loop3A_130, %parallel_loop3A_154 : i32
      %parallel_loop3A_156 = arith.index_cast %parallel_loop3A_155 : i32 to index
      %parallel_loop3A_157 = tpu.vector_load %arg9[%parallel_loop3A_156] {strides = array<i32>} : memref<12800xf32, #tpu.memory_space<vmem>>, vector<16xf32>,
      %parallel_loop3A_158 = vector.shape_cast %parallel_loop3A_157 : vector<16xf32> to vector<16xf32>
      %parallel_loop3A_159 = arith.addf %parallel_loop3A_153, %parallel_loop3A_158 : vector<16xf32>
      %parallel_loop3A_160 = arith.index_cast %parallel_loop3A_118 : i32 to index
      %parallel_loop3A_161 = arith.constant 16 : index
      %parallel_loop3A_162 = tpu.vector_load %arg12[%parallel_loop3A_160, %parallel_loop3A_161] {strides = array<i32>} : memref<128x64xf32, #tpu.memory_space<vmem>>, vector<1x16xf32>,
      %parallel_loop3A_163 = vector.shape_cast %parallel_loop3A_162 : vector<1x16xf32> to vector<16xf32>
      %parallel_loop3A_164 = vector.shape_cast %parallel_loop3A_159 : vector<16xf32> to vector<1x16xf32>
      tpu.vector_store %arg12[%parallel_loop3A_160, %parallel_loop3A_161], %parallel_loop3A_164 {strides = array<i32>} : memref<128x64xf32, #tpu.memory_space<vmem>>, vector<1x16xf32>,
      %parallel_loop3A_165 = arith.constant 32 : i32
      %parallel_loop3A_166 = arith.addi %parallel_loop3A_125, %parallel_loop3A_165 : i32
      %parallel_loop3A_167 = arith.index_cast %parallel_loop3A_118 : i32 to index
      %parallel_loop3A_168 = arith.index_cast %parallel_loop3A_166 : i32 to index
      %parallel_loop3A_169 = tpu.vector_load %arg10[%parallel_loop3A_167, %parallel_loop3A_168] {strides = array<i32>} : memref<128x128xf32, #tpu.memory_space<vmem>>, vector<1x16xf32>,
      %parallel_loop3A_170 = vector.shape_cast %parallel_loop3A_169 : vector<1x16xf32> to vector<16xf32>
      %parallel_loop3A_171 = arith.constant 32 : i32
      %parallel_loop3A_172 = arith.addi %parallel_loop3A_130, %parallel_loop3A_171 : i32
      %parallel_loop3A_173 = arith.index_cast %parallel_loop3A_172 : i32 to index
      %parallel_loop3A_174 = tpu.vector_load %arg9[%parallel_loop3A_173] {strides = array<i32>} : memref<12800xf32, #tpu.memory_space<vmem>>, vector<16xf32>,
      %parallel_loop3A_175 = vector.shape_cast %parallel_loop3A_174 : vector<16xf32> to vector<16xf32>
      %parallel_loop3A_176 = arith.addf %parallel_loop3A_170, %parallel_loop3A_175 : vector<16xf32>
      %parallel_loop3A_177 = arith.index_cast %parallel_loop3A_118 : i32 to index
      %parallel_loop3A_178 = arith.constant 32 : index
      %parallel_loop3A_179 = tpu.vector_load %arg12[%parallel_loop3A_177, %parallel_loop3A_178] {strides = array<i32>} : memref<128x64xf32, #tpu.memory_space<vmem>>, vector<1x16xf32>,
      %parallel_loop3A_180 = vector.shape_cast %parallel_loop3A_179 : vector<1x16xf32> to vector<16xf32>
      %parallel_loop3A_181 = vector.shape_cast %parallel_loop3A_176 : vector<16xf32> to vector<1x16xf32>
      tpu.vector_store %arg12[%parallel_loop3A_177, %parallel_loop3A_178], %parallel_loop3A_181 {strides = array<i32>} : memref<128x64xf32, #tpu.memory_space<vmem>>, vector<1x16xf32>,
      %parallel_loop3A_182 = arith.constant 48 : i32
      %parallel_loop3A_183 = arith.addi %parallel_loop3A_125, %parallel_loop3A_182 : i32
      %parallel_loop3A_184 = arith.index_cast %parallel_loop3A_118 : i32 to index
      %parallel_loop3A_185 = arith.index_cast %parallel_loop3A_183 : i32 to index
      %parallel_loop3A_186 = tpu.vector_load %arg10[%parallel_loop3A_184, %parallel_loop3A_185] {strides = array<i32>} : memref<128x128xf32, #tpu.memory_space<vmem>>, vector<1x16xf32>,
      %parallel_loop3A_187 = vector.shape_cast %parallel_loop3A_186 : vector<1x16xf32> to vector<16xf32>
      %parallel_loop3A_188 = arith.constant 48 : i32
      %parallel_loop3A_189 = arith.addi %parallel_loop3A_130, %parallel_loop3A_188 : i32
      %parallel_loop3A_190 = arith.index_cast %parallel_loop3A_189 : i32 to index
      %parallel_loop3A_191 = tpu.vector_load %arg9[%parallel_loop3A_190] {strides = array<i32>} : memref<12800xf32, #tpu.memory_space<vmem>>, vector<16xf32>,
      %parallel_loop3A_192 = vector.shape_cast %parallel_loop3A_191 : vector<16xf32> to vector<16xf32>
      %parallel_loop3A_193 = arith.addf %parallel_loop3A_187, %parallel_loop3A_192 : vector<16xf32>
      %parallel_loop3A_194 = arith.index_cast %parallel_loop3A_118 : i32 to index
      %parallel_loop3A_195 = arith.constant 48 : index
      %parallel_loop3A_196 = tpu.vector_load %arg12[%parallel_loop3A_194, %parallel_loop3A_195] {strides = array<i32>} : memref<128x64xf32, #tpu.memory_space<vmem>>, vector<1x16xf32>,
      %parallel_loop3A_197 = vector.shape_cast %parallel_loop3A_196 : vector<1x16xf32> to vector<16xf32>
      %parallel_loop3A_198 = vector.shape_cast %parallel_loop3A_193 : vector<16xf32> to vector<1x16xf32>
      tpu.vector_store %arg12[%parallel_loop3A_194, %parallel_loop3A_195], %parallel_loop3A_198 {strides = array<i32>} : memref<128x64xf32, #tpu.memory_space<vmem>>, vector<1x16xf32>,
    } {sc.loop_unroll_factor = 2 : i64, sc.parallel_access}
    %add3A_23 = arith.constant 0 : i32
    %add3A_24 = arith.addi %mul3A_2, %add3A_23 : i32
    %dma_start3A_25 = arith.constant 0 : i32
    %dma_start3A_26 = tpu.memref_slice %arg5[%add3A_24, %dma_start3A_25] : memref<204800x64xf32, #tpu.memory_space<hbm>> -> memref<128x64xf32, #tpu.memory_space<hbm>>
    %dma_start3A_27 = arith.constant 0 : i32
    %dma_start3A_28 = tpu.memref_slice %arg5[%add3A_24, %dma_start3A_27] : memref<204800x64xf32, #tpu.memory_space<hbm>> -> memref<128x64xf32, #tpu.memory_space<hbm>>
    tpu.enqueue_dma source(%arg12 : memref<128x64xf32, #tpu.memory_space<vmem>>) target(%dma_start3A_28 : memref<128x64xf32, #tpu.memory_space<hbm>>) target_semaphore(%arg16 : memref<!tpu.dma_semaphore, #tpu.memory_space<semaphore_mem>>)
    %dma_start3A_29 = arith.constant 256 : i32
    %dma_start3A_30 = tpu.memref_slice %arg7[%dma_start3A_29] : memref<6400xi32, #tpu.memory_space<vmem>> -> memref<128xi32, #tpu.memory_space<vmem>>
    %dma_start3A_31 = arith.constant 0 : i32
    %dma_start3A_32 = arith.constant 0 : i32
    %dma_start3A_33 = tpu.memref_slice %arg4[%dma_start3A_31, %dma_start3A_32] : memref<500000x128xf32, #tpu.memory_space<hbm>> -> memref<500000x128xf32, #tpu.memory_space<hbm>>
    tpu.enqueue_indirect_dma source(%dma_start3A_33 : memref<500000x128xf32, #tpu.memory_space<hbm>>) target(%arg10 : memref<128x128xf32, #tpu.memory_space<vmem>>) offsets(%dma_start3A_30 : memref<128xi32, #tpu.memory_space<vmem>>) semaphore(%arg14 : memref<!tpu.dma_semaphore, #tpu.memory_space<semaphore_mem>>)
    %dma_wait3A_34 = arith.constant 128 : i32
    %dma_wait3A_35 = tpu.memref_slice %arg7[%dma_wait3A_34] : memref<6400xi32, #tpu.memory_space<vmem>> -> memref<128xi32, #tpu.memory_space<vmem>>
    %dma_wait3A_36 = arith.constant 0 : i32
    %dma_wait3A_37 = arith.constant 0 : i32
    %dma_wait3A_38 = tpu.memref_slice %arg4[%dma_wait3A_36, %dma_wait3A_37] : memref<500000x128xf32, #tpu.memory_space<hbm>> -> memref<500000x128xf32, #tpu.memory_space<hbm>>
    tpu.wait_indirect_dma semaphore(%arg15 : memref<!tpu.dma_semaphore, #tpu.memory_space<semaphore_mem>>) src(%dma_wait3A_38 : memref<500000x128xf32, #tpu.memory_space<hbm>>) dst(%arg11 : memref<128x128xf32, #tpu.memory_space<vmem>>)
    %rem3A_39 = arith.constant 128 : i32
    %rem3A_40 = arith.constant 200 : i32
    %rem3A_41 = arith.remsi %rem3A_39, %rem3A_40 : i32
    %parallel_loop3A_42 = arith.constant 0 : i32
    %parallel_loop3A_43 = arith.constant 128 : i32
    %parallel_loop3A_44 = arith.constant 1 : i32
    scf.for %parallel_loop3A_118 = %parallel_loop3A_42 to %parallel_loop3A_43 step %parallel_loop3A_44  : i32 {
      %parallel_loop3A_119 = arith.constant 128 : i32
      %parallel_loop3A_120 = arith.addi %parallel_loop3A_119, %parallel_loop3A_118 : i32
      %parallel_loop3A_121 = arith.index_cast %parallel_loop3A_120 : i32 to index
      %parallel_loop3A_122 = tpu.vector_load %arg8[%parallel_loop3A_121] {strides = array<i32>} : memref<6416xi32, #tpu.memory_space<vmem>>, vector<16xi32>,
      %parallel_loop3A_123 = vector.shape_cast %parallel_loop3A_122 : vector<16xi32> to vector<16xi32>
      %parallel_loop3A_124 = vector.extract_strided_slice %parallel_loop3A_123 {offsets = [0], sizes = [1], strides = [1]} : vector<16xi32> to vector<1xi32>
      %parallel_loop3A_125 = vector.extract %parallel_loop3A_124[0] : i32 from vector<1xi32>
      %parallel_loop3A_126 = arith.addi %rem3A_41, %parallel_loop3A_118 : i32
      %parallel_loop3A_127 = arith.constant 200 : i32
      %parallel_loop3A_128 = arith.remsi %parallel_loop3A_126, %parallel_loop3A_127 : i32
      %parallel_loop3A_129 = arith.constant 64 : i32
      %parallel_loop3A_130 = arith.muli %parallel_loop3A_128, %parallel_loop3A_129 : i32
      %parallel_loop3A_131 = arith.constant 0 : i32
      %parallel_loop3A_132 = arith.addi %parallel_loop3A_125, %parallel_loop3A_131 : i32
      %parallel_loop3A_133 = arith.index_cast %parallel_loop3A_118 : i32 to index
      %parallel_loop3A_134 = arith.index_cast %parallel_loop3A_132 : i32 to index
      %parallel_loop3A_135 = tpu.vector_load %arg11[%parallel_loop3A_133, %parallel_loop3A_134] {strides = array<i32>} : memref<128x128xf32, #tpu.memory_space<vmem>>, vector<1x16xf32>,
      %parallel_loop3A_136 = vector.shape_cast %parallel_loop3A_135 : vector<1x16xf32> to vector<16xf32>
      %parallel_loop3A_137 = arith.constant 0 : i32
      %parallel_loop3A_138 = arith.addi %parallel_loop3A_130, %parallel_loop3A_137 : i32
      %parallel_loop3A_139 = arith.index_cast %parallel_loop3A_138 : i32 to index
      %parallel_loop3A_140 = tpu.vector_load %arg9[%parallel_loop3A_139] {strides = array<i32>} : memref<12800xf32, #tpu.memory_space<vmem>>, vector<16xf32>,
      %parallel_loop3A_141 = vector.shape_cast %parallel_loop3A_140 : vector<16xf32> to vector<16xf32>
      %parallel_loop3A_142 = arith.addf %parallel_loop3A_136, %parallel_loop3A_141 : vector<16xf32>
      %parallel_loop3A_143 = arith.index_cast %parallel_loop3A_118 : i32 to index
      %parallel_loop3A_144 = arith.constant 0 : index
      %parallel_loop3A_145 = tpu.vector_load %arg13[%parallel_loop3A_143, %parallel_loop3A_144] {strides = array<i32>} : memref<128x64xf32, #tpu.memory_space<vmem>>, vector<1x16xf32>,
      %parallel_loop3A_146 = vector.shape_cast %parallel_loop3A_145 : vector<1x16xf32> to vector<16xf32>
      %parallel_loop3A_147 = vector.shape_cast %parallel_loop3A_142 : vector<16xf32> to vector<1x16xf32>
      tpu.vector_store %arg13[%parallel_loop3A_143, %parallel_loop3A_144], %parallel_loop3A_147 {strides = array<i32>} : memref<128x64xf32, #tpu.memory_space<vmem>>, vector<1x16xf32>,
      %parallel_loop3A_148 = arith.constant 16 : i32
      %parallel_loop3A_149 = arith.addi %parallel_loop3A_125, %parallel_loop3A_148 : i32
      %parallel_loop3A_150 = arith.index_cast %parallel_loop3A_118 : i32 to index
      %parallel_loop3A_151 = arith.index_cast %parallel_loop3A_149 : i32 to index
      %parallel_loop3A_152 = tpu.vector_load %arg11[%parallel_loop3A_150, %parallel_loop3A_151] {strides = array<i32>} : memref<128x128xf32, #tpu.memory_space<vmem>>, vector<1x16xf32>,
      %parallel_loop3A_153 = vector.shape_cast %parallel_loop3A_152 : vector<1x16xf32> to vector<16xf32>
      %parallel_loop3A_154 = arith.constant 16 : i32
      %parallel_loop3A_155 = arith.addi %parallel_loop3A_130, %parallel_loop3A_154 : i32
      %parallel_loop3A_156 = arith.index_cast %parallel_loop3A_155 : i32 to index
      %parallel_loop3A_157 = tpu.vector_load %arg9[%parallel_loop3A_156] {strides = array<i32>} : memref<12800xf32, #tpu.memory_space<vmem>>, vector<16xf32>,
      %parallel_loop3A_158 = vector.shape_cast %parallel_loop3A_157 : vector<16xf32> to vector<16xf32>
      %parallel_loop3A_159 = arith.addf %parallel_loop3A_153, %parallel_loop3A_158 : vector<16xf32>
      %parallel_loop3A_160 = arith.index_cast %parallel_loop3A_118 : i32 to index
      %parallel_loop3A_161 = arith.constant 16 : index
      %parallel_loop3A_162 = tpu.vector_load %arg13[%parallel_loop3A_160, %parallel_loop3A_161] {strides = array<i32>} : memref<128x64xf32, #tpu.memory_space<vmem>>, vector<1x16xf32>,
      %parallel_loop3A_163 = vector.shape_cast %parallel_loop3A_162 : vector<1x16xf32> to vector<16xf32>
      %parallel_loop3A_164 = vector.shape_cast %parallel_loop3A_159 : vector<16xf32> to vector<1x16xf32>
      tpu.vector_store %arg13[%parallel_loop3A_160, %parallel_loop3A_161], %parallel_loop3A_164 {strides = array<i32>} : memref<128x64xf32, #tpu.memory_space<vmem>>, vector<1x16xf32>,
      %parallel_loop3A_165 = arith.constant 32 : i32
      %parallel_loop3A_166 = arith.addi %parallel_loop3A_125, %parallel_loop3A_165 : i32
      %parallel_loop3A_167 = arith.index_cast %parallel_loop3A_118 : i32 to index
      %parallel_loop3A_168 = arith.index_cast %parallel_loop3A_166 : i32 to index
      %parallel_loop3A_169 = tpu.vector_load %arg11[%parallel_loop3A_167, %parallel_loop3A_168] {strides = array<i32>} : memref<128x128xf32, #tpu.memory_space<vmem>>, vector<1x16xf32>,
      %parallel_loop3A_170 = vector.shape_cast %parallel_loop3A_169 : vector<1x16xf32> to vector<16xf32>
      %parallel_loop3A_171 = arith.constant 32 : i32
      %parallel_loop3A_172 = arith.addi %parallel_loop3A_130, %parallel_loop3A_171 : i32
      %parallel_loop3A_173 = arith.index_cast %parallel_loop3A_172 : i32 to index
      %parallel_loop3A_174 = tpu.vector_load %arg9[%parallel_loop3A_173] {strides = array<i32>} : memref<12800xf32, #tpu.memory_space<vmem>>, vector<16xf32>,
      %parallel_loop3A_175 = vector.shape_cast %parallel_loop3A_174 : vector<16xf32> to vector<16xf32>
      %parallel_loop3A_176 = arith.addf %parallel_loop3A_170, %parallel_loop3A_175 : vector<16xf32>
      %parallel_loop3A_177 = arith.index_cast %parallel_loop3A_118 : i32 to index
      %parallel_loop3A_178 = arith.constant 32 : index
      %parallel_loop3A_179 = tpu.vector_load %arg13[%parallel_loop3A_177, %parallel_loop3A_178] {strides = array<i32>} : memref<128x64xf32, #tpu.memory_space<vmem>>, vector<1x16xf32>,
      %parallel_loop3A_180 = vector.shape_cast %parallel_loop3A_179 : vector<1x16xf32> to vector<16xf32>
      %parallel_loop3A_181 = vector.shape_cast %parallel_loop3A_176 : vector<16xf32> to vector<1x16xf32>
      tpu.vector_store %arg13[%parallel_loop3A_177, %parallel_loop3A_178], %parallel_loop3A_181 {strides = array<i32>} : memref<128x64xf32, #tpu.memory_space<vmem>>, vector<1x16xf32>,
      %parallel_loop3A_182 = arith.constant 48 : i32
      %parallel_loop3A_183 = arith.addi %parallel_loop3A_125, %parallel_loop3A_182 : i32
      %parallel_loop3A_184 = arith.index_cast %parallel_loop3A_118 : i32 to index
      %parallel_loop3A_185 = arith.index_cast %parallel_loop3A_183 : i32 to index
      %parallel_loop3A_186 = tpu.vector_load %arg11[%parallel_loop3A_184, %parallel_loop3A_185] {strides = array<i32>} : memref<128x128xf32, #tpu.memory_space<vmem>>, vector<1x16xf32>,
      %parallel_loop3A_187 = vector.shape_cast %parallel_loop3A_186 : vector<1x16xf32> to vector<16xf32>
      %parallel_loop3A_188 = arith.constant 48 : i32
      %parallel_loop3A_189 = arith.addi %parallel_loop3A_130, %parallel_loop3A_188 : i32
      %parallel_loop3A_190 = arith.index_cast %parallel_loop3A_189 : i32 to index
      %parallel_loop3A_191 = tpu.vector_load %arg9[%parallel_loop3A_190] {strides = array<i32>} : memref<12800xf32, #tpu.memory_space<vmem>>, vector<16xf32>,
      %parallel_loop3A_192 = vector.shape_cast %parallel_loop3A_191 : vector<16xf32> to vector<16xf32>
      %parallel_loop3A_193 = arith.addf %parallel_loop3A_187, %parallel_loop3A_192 : vector<16xf32>
      %parallel_loop3A_194 = arith.index_cast %parallel_loop3A_118 : i32 to index
      %parallel_loop3A_195 = arith.constant 48 : index
      %parallel_loop3A_196 = tpu.vector_load %arg13[%parallel_loop3A_194, %parallel_loop3A_195] {strides = array<i32>} : memref<128x64xf32, #tpu.memory_space<vmem>>, vector<1x16xf32>,
      %parallel_loop3A_197 = vector.shape_cast %parallel_loop3A_196 : vector<1x16xf32> to vector<16xf32>
      %parallel_loop3A_198 = vector.shape_cast %parallel_loop3A_193 : vector<16xf32> to vector<1x16xf32>
      tpu.vector_store %arg13[%parallel_loop3A_194, %parallel_loop3A_195], %parallel_loop3A_198 {strides = array<i32>} : memref<128x64xf32, #tpu.memory_space<vmem>>, vector<1x16xf32>,
    } {sc.loop_unroll_factor = 2 : i64, sc.parallel_access}
    %add3A_45 = arith.constant 128 : i32
    %add3A_46 = arith.addi %mul3A_2, %add3A_45 : i32
    %dma_start3A_47 = arith.constant 0 : i32
    %dma_start3A_48 = tpu.memref_slice %arg5[%add3A_46, %dma_start3A_47] : memref<204800x64xf32, #tpu.memory_space<hbm>> -> memref<128x64xf32, #tpu.memory_space<hbm>>
    %dma_start3A_49 = arith.constant 0 : i32
    %dma_start3A_50 = tpu.memref_slice %arg5[%add3A_46, %dma_start3A_49] : memref<204800x64xf32, #tpu.memory_space<hbm>> -> memref<128x64xf32, #tpu.memory_space<hbm>>
    tpu.enqueue_dma source(%arg13 : memref<128x64xf32, #tpu.memory_space<vmem>>) target(%dma_start3A_50 : memref<128x64xf32, #tpu.memory_space<hbm>>) target_semaphore(%arg17 : memref<!tpu.dma_semaphore, #tpu.memory_space<semaphore_mem>>)
    %dma_start3A_51 = arith.constant 384 : i32
    %dma_start3A_52 = tpu.memref_slice %arg7[%dma_start3A_51] : memref<6400xi32, #tpu.memory_space<vmem>> -> memref<128xi32, #tpu.memory_space<vmem>>
    %dma_start3A_53 = arith.constant 0 : i32
    %dma_start3A_54 = arith.constant 0 : i32
    %dma_start3A_55 = tpu.memref_slice %arg4[%dma_start3A_53, %dma_start3A_54] : memref<500000x128xf32, #tpu.memory_space<hbm>> -> memref<500000x128xf32, #tpu.memory_space<hbm>>
    tpu.enqueue_indirect_dma source(%dma_start3A_55 : memref<500000x128xf32, #tpu.memory_space<hbm>>) target(%arg11 : memref<128x128xf32, #tpu.memory_space<vmem>>) offsets(%dma_start3A_52 : memref<128xi32, #tpu.memory_space<vmem>>) semaphore(%arg15 : memref<!tpu.dma_semaphore, #tpu.memory_space<semaphore_mem>>)
    %scan3A = arith.constant 0 : i32
    %scan3A_56 = arith.constant 23 : i32
    %scan3A_57 = arith.addi %scan3A, %scan3A_56 : i32
    %scan3A_58 = arith.constant 1 : i32
    scf.for %scan3A_118 = %scan3A to %scan3A_57 step %scan3A_58  : i32 {
      %mul3A_119 = arith.constant 1 : i32
      %mul3A_120 = arith.muli %scan3A_118, %mul3A_119 : i32
      %add3A_121 = arith.constant 0 : i32
      %add3A_122 = arith.addi %add3A_121, %mul3A_120 : i32
      %mul3A_123 = arith.constant 2 : i32
      %mul3A_124 = arith.muli %add3A_122, %mul3A_123 : i32
      %add3A_125 = arith.constant 2 : i32
      %add3A_126 = arith.addi %add3A_125, %mul3A_124 : i32
      %add3A_127 = arith.constant 0 : i32
      %add3A_128 = arith.addi %add3A_126, %add3A_127 : i32
      %mul3A_129 = arith.constant 128 : i32
      %mul3A_130 = arith.muli %add3A_128, %mul3A_129 : i32
      %dma_wait3A_131 = tpu.memref_slice %arg7[%mul3A_130] : memref<6400xi32, #tpu.memory_space<vmem>> -> memref<128xi32, #tpu.memory_space<vmem>>
      %dma_wait3A_132 = arith.constant 0 : i32
      %dma_wait3A_133 = arith.constant 0 : i32
      %dma_wait3A_134 = tpu.memref_slice %arg4[%dma_wait3A_132, %dma_wait3A_133] : memref<500000x128xf32, #tpu.memory_space<hbm>> -> memref<500000x128xf32, #tpu.memory_space<hbm>>
      tpu.wait_indirect_dma semaphore(%arg14 : memref<!tpu.dma_semaphore, #tpu.memory_space<semaphore_mem>>) src(%dma_wait3A_134 : memref<500000x128xf32, #tpu.memory_space<hbm>>) dst(%arg10 : memref<128x128xf32, #tpu.memory_space<vmem>>)
      %sub3A = arith.constant 2 : i32
      %sub3A_135 = arith.subi %add3A_128, %sub3A : i32
      %mul3A_136 = arith.constant 128 : i32
      %mul3A_137 = arith.muli %sub3A_135, %mul3A_136 : i32
      %add3A_138 = arith.addi %mul3A_2, %mul3A_137 : i32
      %dma_wait3A_139 = arith.constant 0 : i32
      %dma_wait3A_140 = tpu.memref_slice %arg5[%add3A_138, %dma_wait3A_139] : memref<204800x64xf32, #tpu.memory_space<hbm>> -> memref<128x64xf32, #tpu.memory_space<hbm>>
      %dma_wait3A_141 = arith.constant 0 : i32
      %dma_wait3A_142 = tpu.memref_slice %arg5[%add3A_138, %dma_wait3A_141] : memref<204800x64xf32, #tpu.memory_space<hbm>> -> memref<128x64xf32, #tpu.memory_space<hbm>>
      tpu.wait_dma2 semaphore(%arg16 : memref<!tpu.dma_semaphore, #tpu.memory_space<semaphore_mem>>) src(%arg12 : memref<128x64xf32, #tpu.memory_space<vmem>>) dst(%dma_wait3A_142 : memref<128x64xf32, #tpu.memory_space<hbm>>)
      %mul3A_143 = arith.constant 128 : i32
      %mul3A_144 = arith.muli %add3A_128, %mul3A_143 : i32
      %rem3A_145 = arith.constant 200 : i32
      %rem3A_146 = arith.remsi %mul3A_144, %rem3A_145 : i32
      %parallel_loop3A_147 = arith.constant 0 : i32
      %parallel_loop3A_148 = arith.constant 128 : i32
      %parallel_loop3A_149 = arith.constant 1 : i32
      scf.for %parallel_loop3A_208 = %parallel_loop3A_147 to %parallel_loop3A_148 step %parallel_loop3A_149  : i32 {
        %parallel_loop3A_209 = arith.addi %mul3A_144, %parallel_loop3A_208 : i32
        %parallel_loop3A_210 = arith.index_cast %parallel_loop3A_209 : i32 to index
        %parallel_loop3A_211 = tpu.vector_load %arg8[%parallel_loop3A_210] {strides = array<i32>} : memref<6416xi32, #tpu.memory_space<vmem>>, vector<16xi32>,
        %parallel_loop3A_212 = vector.shape_cast %parallel_loop3A_211 : vector<16xi32> to vector<16xi32>
        %parallel_loop3A_213 = vector.extract_strided_slice %parallel_loop3A_212 {offsets = [0], sizes = [1], strides = [1]} : vector<16xi32> to vector<1xi32>
        %parallel_loop3A_214 = vector.extract %parallel_loop3A_213[0] : i32 from vector<1xi32>
        %parallel_loop3A_215 = arith.addi %rem3A_146, %parallel_loop3A_208 : i32
        %parallel_loop3A_216 = arith.constant 200 : i32
        %parallel_loop3A_217 = arith.remsi %parallel_loop3A_215, %parallel_loop3A_216 : i32
        %parallel_loop3A_218 = arith.constant 64 : i32
        %parallel_loop3A_219 = arith.muli %parallel_loop3A_217, %parallel_loop3A_218 : i32
        %parallel_loop3A_220 = arith.constant 0 : i32
        %parallel_loop3A_221 = arith.addi %parallel_loop3A_214, %parallel_loop3A_220 : i32
        %parallel_loop3A_222 = arith.index_cast %parallel_loop3A_208 : i32 to index
        %parallel_loop3A_223 = arith.index_cast %parallel_loop3A_221 : i32 to index
        %parallel_loop3A_224 = tpu.vector_load %arg10[%parallel_loop3A_222, %parallel_loop3A_223] {strides = array<i32>} : memref<128x128xf32, #tpu.memory_space<vmem>>, vector<1x16xf32>,
        %parallel_loop3A_225 = vector.shape_cast %parallel_loop3A_224 : vector<1x16xf32> to vector<16xf32>
        %parallel_loop3A_226 = arith.constant 0 : i32
        %parallel_loop3A_227 = arith.addi %parallel_loop3A_219, %parallel_loop3A_226 : i32
        %parallel_loop3A_228 = arith.index_cast %parallel_loop3A_227 : i32 to index
        %parallel_loop3A_229 = tpu.vector_load %arg9[%parallel_loop3A_228] {strides = array<i32>} : memref<12800xf32, #tpu.memory_space<vmem>>, vector<16xf32>,
        %parallel_loop3A_230 = vector.shape_cast %parallel_loop3A_229 : vector<16xf32> to vector<16xf32>
        %parallel_loop3A_231 = arith.addf %parallel_loop3A_225, %parallel_loop3A_230 : vector<16xf32>
        %parallel_loop3A_232 = arith.index_cast %parallel_loop3A_208 : i32 to index
        %parallel_loop3A_233 = arith.constant 0 : index
        %parallel_loop3A_234 = tpu.vector_load %arg12[%parallel_loop3A_232, %parallel_loop3A_233] {strides = array<i32>} : memref<128x64xf32, #tpu.memory_space<vmem>>, vector<1x16xf32>,
        %parallel_loop3A_235 = vector.shape_cast %parallel_loop3A_234 : vector<1x16xf32> to vector<16xf32>
        %parallel_loop3A_236 = vector.shape_cast %parallel_loop3A_231 : vector<16xf32> to vector<1x16xf32>
        tpu.vector_store %arg12[%parallel_loop3A_232, %parallel_loop3A_233], %parallel_loop3A_236 {strides = array<i32>} : memref<128x64xf32, #tpu.memory_space<vmem>>, vector<1x16xf32>,
        %parallel_loop3A_237 = arith.constant 16 : i32
        %parallel_loop3A_238 = arith.addi %parallel_loop3A_214, %parallel_loop3A_237 : i32
        %parallel_loop3A_239 = arith.index_cast %parallel_loop3A_208 : i32 to index
        %parallel_loop3A_240 = arith.index_cast %parallel_loop3A_238 : i32 to index
        %parallel_loop3A_241 = tpu.vector_load %arg10[%parallel_loop3A_239, %parallel_loop3A_240] {strides = array<i32>} : memref<128x128xf32, #tpu.memory_space<vmem>>, vector<1x16xf32>,
        %parallel_loop3A_242 = vector.shape_cast %parallel_loop3A_241 : vector<1x16xf32> to vector<16xf32>
        %parallel_loop3A_243 = arith.constant 16 : i32
        %parallel_loop3A_244 = arith.addi %parallel_loop3A_219, %parallel_loop3A_243 : i32
        %parallel_loop3A_245 = arith.index_cast %parallel_loop3A_244 : i32 to index
        %parallel_loop3A_246 = tpu.vector_load %arg9[%parallel_loop3A_245] {strides = array<i32>} : memref<12800xf32, #tpu.memory_space<vmem>>, vector<16xf32>,
        %parallel_loop3A_247 = vector.shape_cast %parallel_loop3A_246 : vector<16xf32> to vector<16xf32>
        %parallel_loop3A_248 = arith.addf %parallel_loop3A_242, %parallel_loop3A_247 : vector<16xf32>
        %parallel_loop3A_249 = arith.index_cast %parallel_loop3A_208 : i32 to index
        %parallel_loop3A_250 = arith.constant 16 : index
        %parallel_loop3A_251 = tpu.vector_load %arg12[%parallel_loop3A_249, %parallel_loop3A_250] {strides = array<i32>} : memref<128x64xf32, #tpu.memory_space<vmem>>, vector<1x16xf32>,
        %parallel_loop3A_252 = vector.shape_cast %parallel_loop3A_251 : vector<1x16xf32> to vector<16xf32>
        %parallel_loop3A_253 = vector.shape_cast %parallel_loop3A_248 : vector<16xf32> to vector<1x16xf32>
        tpu.vector_store %arg12[%parallel_loop3A_249, %parallel_loop3A_250], %parallel_loop3A_253 {strides = array<i32>} : memref<128x64xf32, #tpu.memory_space<vmem>>, vector<1x16xf32>,
        %parallel_loop3A_254 = arith.constant 32 : i32
        %parallel_loop3A_255 = arith.addi %parallel_loop3A_214, %parallel_loop3A_254 : i32
        %parallel_loop3A_256 = arith.index_cast %parallel_loop3A_208 : i32 to index
        %parallel_loop3A_257 = arith.index_cast %parallel_loop3A_255 : i32 to index
        %parallel_loop3A_258 = tpu.vector_load %arg10[%parallel_loop3A_256, %parallel_loop3A_257] {strides = array<i32>} : memref<128x128xf32, #tpu.memory_space<vmem>>, vector<1x16xf32>,
        %parallel_loop3A_259 = vector.shape_cast %parallel_loop3A_258 : vector<1x16xf32> to vector<16xf32>
        %parallel_loop3A_260 = arith.constant 32 : i32
        %parallel_loop3A_261 = arith.addi %parallel_loop3A_219, %parallel_loop3A_260 : i32
        %parallel_loop3A_262 = arith.index_cast %parallel_loop3A_261 : i32 to index
        %parallel_loop3A_263 = tpu.vector_load %arg9[%parallel_loop3A_262] {strides = array<i32>} : memref<12800xf32, #tpu.memory_space<vmem>>, vector<16xf32>,
        %parallel_loop3A_264 = vector.shape_cast %parallel_loop3A_263 : vector<16xf32> to vector<16xf32>
        %parallel_loop3A_265 = arith.addf %parallel_loop3A_259, %parallel_loop3A_264 : vector<16xf32>
        %parallel_loop3A_266 = arith.index_cast %parallel_loop3A_208 : i32 to index
        %parallel_loop3A_267 = arith.constant 32 : index
        %parallel_loop3A_268 = tpu.vector_load %arg12[%parallel_loop3A_266, %parallel_loop3A_267] {strides = array<i32>} : memref<128x64xf32, #tpu.memory_space<vmem>>, vector<1x16xf32>,
        %parallel_loop3A_269 = vector.shape_cast %parallel_loop3A_268 : vector<1x16xf32> to vector<16xf32>
        %parallel_loop3A_270 = vector.shape_cast %parallel_loop3A_265 : vector<16xf32> to vector<1x16xf32>
        tpu.vector_store %arg12[%parallel_loop3A_266, %parallel_loop3A_267], %parallel_loop3A_270 {strides = array<i32>} : memref<128x64xf32, #tpu.memory_space<vmem>>, vector<1x16xf32>,
        %parallel_loop3A_271 = arith.constant 48 : i32
        %parallel_loop3A_272 = arith.addi %parallel_loop3A_214, %parallel_loop3A_271 : i32
        %parallel_loop3A_273 = arith.index_cast %parallel_loop3A_208 : i32 to index
        %parallel_loop3A_274 = arith.index_cast %parallel_loop3A_272 : i32 to index
        %parallel_loop3A_275 = tpu.vector_load %arg10[%parallel_loop3A_273, %parallel_loop3A_274] {strides = array<i32>} : memref<128x128xf32, #tpu.memory_space<vmem>>, vector<1x16xf32>,
        %parallel_loop3A_276 = vector.shape_cast %parallel_loop3A_275 : vector<1x16xf32> to vector<16xf32>
        %parallel_loop3A_277 = arith.constant 48 : i32
        %parallel_loop3A_278 = arith.addi %parallel_loop3A_219, %parallel_loop3A_277 : i32
        %parallel_loop3A_279 = arith.index_cast %parallel_loop3A_278 : i32 to index
        %parallel_loop3A_280 = tpu.vector_load %arg9[%parallel_loop3A_279] {strides = array<i32>} : memref<12800xf32, #tpu.memory_space<vmem>>, vector<16xf32>,
        %parallel_loop3A_281 = vector.shape_cast %parallel_loop3A_280 : vector<16xf32> to vector<16xf32>
        %parallel_loop3A_282 = arith.addf %parallel_loop3A_276, %parallel_loop3A_281 : vector<16xf32>
        %parallel_loop3A_283 = arith.index_cast %parallel_loop3A_208 : i32 to index
        %parallel_loop3A_284 = arith.constant 48 : index
        %parallel_loop3A_285 = tpu.vector_load %arg12[%parallel_loop3A_283, %parallel_loop3A_284] {strides = array<i32>} : memref<128x64xf32, #tpu.memory_space<vmem>>, vector<1x16xf32>,
        %parallel_loop3A_286 = vector.shape_cast %parallel_loop3A_285 : vector<1x16xf32> to vector<16xf32>
        %parallel_loop3A_287 = vector.shape_cast %parallel_loop3A_282 : vector<16xf32> to vector<1x16xf32>
        tpu.vector_store %arg12[%parallel_loop3A_283, %parallel_loop3A_284], %parallel_loop3A_287 {strides = array<i32>} : memref<128x64xf32, #tpu.memory_space<vmem>>, vector<1x16xf32>,
      } {sc.loop_unroll_factor = 2 : i64, sc.parallel_access}
      %mul3A_150 = arith.constant 128 : i32
      %mul3A_151 = arith.muli %add3A_128, %mul3A_150 : i32
      %add3A_152 = arith.addi %mul3A_2, %mul3A_151 : i32
      %dma_start3A_153 = arith.constant 0 : i32
      %dma_start3A_154 = tpu.memref_slice %arg5[%add3A_152, %dma_start3A_153] : memref<204800x64xf32, #tpu.memory_space<hbm>> -> memref<128x64xf32, #tpu.memory_space<hbm>>
      %dma_start3A_155 = arith.constant 0 : i32
      %dma_start3A_156 = tpu.memref_slice %arg5[%add3A_152, %dma_start3A_155] : memref<204800x64xf32, #tpu.memory_space<hbm>> -> memref<128x64xf32, #tpu.memory_space<hbm>>
      tpu.enqueue_dma source(%arg12 : memref<128x64xf32, #tpu.memory_space<vmem>>) target(%dma_start3A_156 : memref<128x64xf32, #tpu.memory_space<hbm>>) target_semaphore(%arg16 : memref<!tpu.dma_semaphore, #tpu.memory_space<semaphore_mem>>)
      %add3A_157 = arith.constant 2 : i32
      %add3A_158 = arith.addi %add3A_128, %add3A_157 : i32
      %mul3A_159 = arith.constant 128 : i32
      %mul3A_160 = arith.muli %add3A_158, %mul3A_159 : i32
      %dma_start3A_161 = tpu.memref_slice %arg7[%mul3A_160] : memref<6400xi32, #tpu.memory_space<vmem>> -> memref<128xi32, #tpu.memory_space<vmem>>
      %dma_start3A_162 = arith.constant 0 : i32
      %dma_start3A_163 = arith.constant 0 : i32
      %dma_start3A_164 = tpu.memref_slice %arg4[%dma_start3A_162, %dma_start3A_163] : memref<500000x128xf32, #tpu.memory_space<hbm>> -> memref<500000x128xf32, #tpu.memory_space<hbm>>
      tpu.enqueue_indirect_dma source(%dma_start3A_164 : memref<500000x128xf32, #tpu.memory_space<hbm>>) target(%arg10 : memref<128x128xf32, #tpu.memory_space<vmem>>) offsets(%dma_start3A_161 : memref<128xi32, #tpu.memory_space<vmem>>) semaphore(%arg14 : memref<!tpu.dma_semaphore, #tpu.memory_space<semaphore_mem>>)
      %mul3A_165 = arith.constant 2 : i32
      %mul3A_166 = arith.muli %add3A_122, %mul3A_165 : i32
      %add3A_167 = arith.constant 2 : i32
      %add3A_168 = arith.addi %add3A_167, %mul3A_166 : i32
      %add3A_169 = arith.constant 1 : i32
      %add3A_170 = arith.addi %add3A_168, %add3A_169 : i32
      %mul3A_171 = arith.constant 128 : i32
      %mul3A_172 = arith.muli %add3A_170, %mul3A_171 : i32
      %dma_wait3A_173 = tpu.memref_slice %arg7[%mul3A_172] : memref<6400xi32, #tpu.memory_space<vmem>> -> memref<128xi32, #tpu.memory_space<vmem>>
      %dma_wait3A_174 = arith.constant 0 : i32
      %dma_wait3A_175 = arith.constant 0 : i32
      %dma_wait3A_176 = tpu.memref_slice %arg4[%dma_wait3A_174, %dma_wait3A_175] : memref<500000x128xf32, #tpu.memory_space<hbm>> -> memref<500000x128xf32, #tpu.memory_space<hbm>>
      tpu.wait_indirect_dma semaphore(%arg15 : memref<!tpu.dma_semaphore, #tpu.memory_space<semaphore_mem>>) src(%dma_wait3A_176 : memref<500000x128xf32, #tpu.memory_space<hbm>>) dst(%arg11 : memref<128x128xf32, #tpu.memory_space<vmem>>)
      %sub3A_177 = arith.constant 2 : i32
      %sub3A_178 = arith.subi %add3A_170, %sub3A_177 : i32
      %mul3A_179 = arith.constant 128 : i32
      %mul3A_180 = arith.muli %sub3A_178, %mul3A_179 : i32
      %add3A_181 = arith.addi %mul3A_2, %mul3A_180 : i32
      %dma_wait3A_182 = arith.constant 0 : i32
      %dma_wait3A_183 = tpu.memref_slice %arg5[%add3A_181, %dma_wait3A_182] : memref<204800x64xf32, #tpu.memory_space<hbm>> -> memref<128x64xf32, #tpu.memory_space<hbm>>
      %dma_wait3A_184 = arith.constant 0 : i32
      %dma_wait3A_185 = tpu.memref_slice %arg5[%add3A_181, %dma_wait3A_184] : memref<204800x64xf32, #tpu.memory_space<hbm>> -> memref<128x64xf32, #tpu.memory_space<hbm>>
      tpu.wait_dma2 semaphore(%arg17 : memref<!tpu.dma_semaphore, #tpu.memory_space<semaphore_mem>>) src(%arg13 : memref<128x64xf32, #tpu.memory_space<vmem>>) dst(%dma_wait3A_185 : memref<128x64xf32, #tpu.memory_space<hbm>>)
      %mul3A_186 = arith.constant 128 : i32
      %mul3A_187 = arith.muli %add3A_170, %mul3A_186 : i32
      %rem3A_188 = arith.constant 200 : i32
      %rem3A_189 = arith.remsi %mul3A_187, %rem3A_188 : i32
      %parallel_loop3A_190 = arith.constant 0 : i32
      %parallel_loop3A_191 = arith.constant 128 : i32
      %parallel_loop3A_192 = arith.constant 1 : i32
      scf.for %parallel_loop3A_208 = %parallel_loop3A_190 to %parallel_loop3A_191 step %parallel_loop3A_192  : i32 {
        %parallel_loop3A_209 = arith.addi %mul3A_187, %parallel_loop3A_208 : i32
        %parallel_loop3A_210 = arith.index_cast %parallel_loop3A_209 : i32 to index
        %parallel_loop3A_211 = tpu.vector_load %arg8[%parallel_loop3A_210] {strides = array<i32>} : memref<6416xi32, #tpu.memory_space<vmem>>, vector<16xi32>,
        %parallel_loop3A_212 = vector.shape_cast %parallel_loop3A_211 : vector<16xi32> to vector<16xi32>
        %parallel_loop3A_213 = vector.extract_strided_slice %parallel_loop3A_212 {offsets = [0], sizes = [1], strides = [1]} : vector<16xi32> to vector<1xi32>
        %parallel_loop3A_214 = vector.extract %parallel_loop3A_213[0] : i32 from vector<1xi32>
        %parallel_loop3A_215 = arith.addi %rem3A_189, %parallel_loop3A_208 : i32
        %parallel_loop3A_216 = arith.constant 200 : i32
        %parallel_loop3A_217 = arith.remsi %parallel_loop3A_215, %parallel_loop3A_216 : i32
        %parallel_loop3A_218 = arith.constant 64 : i32
        %parallel_loop3A_219 = arith.muli %parallel_loop3A_217, %parallel_loop3A_218 : i32
        %parallel_loop3A_220 = arith.constant 0 : i32
        %parallel_loop3A_221 = arith.addi %parallel_loop3A_214, %parallel_loop3A_220 : i32
        %parallel_loop3A_222 = arith.index_cast %parallel_loop3A_208 : i32 to index
        %parallel_loop3A_223 = arith.index_cast %parallel_loop3A_221 : i32 to index
        %parallel_loop3A_224 = tpu.vector_load %arg11[%parallel_loop3A_222, %parallel_loop3A_223] {strides = array<i32>} : memref<128x128xf32, #tpu.memory_space<vmem>>, vector<1x16xf32>,
        %parallel_loop3A_225 = vector.shape_cast %parallel_loop3A_224 : vector<1x16xf32> to vector<16xf32>
        %parallel_loop3A_226 = arith.constant 0 : i32
        %parallel_loop3A_227 = arith.addi %parallel_loop3A_219, %parallel_loop3A_226 : i32
        %parallel_loop3A_228 = arith.index_cast %parallel_loop3A_227 : i32 to index
        %parallel_loop3A_229 = tpu.vector_load %arg9[%parallel_loop3A_228] {strides = array<i32>} : memref<12800xf32, #tpu.memory_space<vmem>>, vector<16xf32>,
        %parallel_loop3A_230 = vector.shape_cast %parallel_loop3A_229 : vector<16xf32> to vector<16xf32>
        %parallel_loop3A_231 = arith.addf %parallel_loop3A_225, %parallel_loop3A_230 : vector<16xf32>
        %parallel_loop3A_232 = arith.index_cast %parallel_loop3A_208 : i32 to index
        %parallel_loop3A_233 = arith.constant 0 : index
        %parallel_loop3A_234 = tpu.vector_load %arg13[%parallel_loop3A_232, %parallel_loop3A_233] {strides = array<i32>} : memref<128x64xf32, #tpu.memory_space<vmem>>, vector<1x16xf32>,
        %parallel_loop3A_235 = vector.shape_cast %parallel_loop3A_234 : vector<1x16xf32> to vector<16xf32>
        %parallel_loop3A_236 = vector.shape_cast %parallel_loop3A_231 : vector<16xf32> to vector<1x16xf32>
        tpu.vector_store %arg13[%parallel_loop3A_232, %parallel_loop3A_233], %parallel_loop3A_236 {strides = array<i32>} : memref<128x64xf32, #tpu.memory_space<vmem>>, vector<1x16xf32>,
        %parallel_loop3A_237 = arith.constant 16 : i32
        %parallel_loop3A_238 = arith.addi %parallel_loop3A_214, %parallel_loop3A_237 : i32
        %parallel_loop3A_239 = arith.index_cast %parallel_loop3A_208 : i32 to index
        %parallel_loop3A_240 = arith.index_cast %parallel_loop3A_238 : i32 to index
        %parallel_loop3A_241 = tpu.vector_load %arg11[%parallel_loop3A_239, %parallel_loop3A_240] {strides = array<i32>} : memref<128x128xf32, #tpu.memory_space<vmem>>, vector<1x16xf32>,
        %parallel_loop3A_242 = vector.shape_cast %parallel_loop3A_241 : vector<1x16xf32> to vector<16xf32>
        %parallel_loop3A_243 = arith.constant 16 : i32
        %parallel_loop3A_244 = arith.addi %parallel_loop3A_219, %parallel_loop3A_243 : i32
        %parallel_loop3A_245 = arith.index_cast %parallel_loop3A_244 : i32 to index
        %parallel_loop3A_246 = tpu.vector_load %arg9[%parallel_loop3A_245] {strides = array<i32>} : memref<12800xf32, #tpu.memory_space<vmem>>, vector<16xf32>,
        %parallel_loop3A_247 = vector.shape_cast %parallel_loop3A_246 : vector<16xf32> to vector<16xf32>
        %parallel_loop3A_248 = arith.addf %parallel_loop3A_242, %parallel_loop3A_247 : vector<16xf32>
        %parallel_loop3A_249 = arith.index_cast %parallel_loop3A_208 : i32 to index
        %parallel_loop3A_250 = arith.constant 16 : index
        %parallel_loop3A_251 = tpu.vector_load %arg13[%parallel_loop3A_249, %parallel_loop3A_250] {strides = array<i32>} : memref<128x64xf32, #tpu.memory_space<vmem>>, vector<1x16xf32>,
        %parallel_loop3A_252 = vector.shape_cast %parallel_loop3A_251 : vector<1x16xf32> to vector<16xf32>
        %parallel_loop3A_253 = vector.shape_cast %parallel_loop3A_248 : vector<16xf32> to vector<1x16xf32>
        tpu.vector_store %arg13[%parallel_loop3A_249, %parallel_loop3A_250], %parallel_loop3A_253 {strides = array<i32>} : memref<128x64xf32, #tpu.memory_space<vmem>>, vector<1x16xf32>,
        %parallel_loop3A_254 = arith.constant 32 : i32
        %parallel_loop3A_255 = arith.addi %parallel_loop3A_214, %parallel_loop3A_254 : i32
        %parallel_loop3A_256 = arith.index_cast %parallel_loop3A_208 : i32 to index
        %parallel_loop3A_257 = arith.index_cast %parallel_loop3A_255 : i32 to index
        %parallel_loop3A_258 = tpu.vector_load %arg11[%parallel_loop3A_256, %parallel_loop3A_257] {strides = array<i32>} : memref<128x128xf32, #tpu.memory_space<vmem>>, vector<1x16xf32>,
        %parallel_loop3A_259 = vector.shape_cast %parallel_loop3A_258 : vector<1x16xf32> to vector<16xf32>
        %parallel_loop3A_260 = arith.constant 32 : i32
        %parallel_loop3A_261 = arith.addi %parallel_loop3A_219, %parallel_loop3A_260 : i32
        %parallel_loop3A_262 = arith.index_cast %parallel_loop3A_261 : i32 to index
        %parallel_loop3A_263 = tpu.vector_load %arg9[%parallel_loop3A_262] {strides = array<i32>} : memref<12800xf32, #tpu.memory_space<vmem>>, vector<16xf32>,
        %parallel_loop3A_264 = vector.shape_cast %parallel_loop3A_263 : vector<16xf32> to vector<16xf32>
        %parallel_loop3A_265 = arith.addf %parallel_loop3A_259, %parallel_loop3A_264 : vector<16xf32>
        %parallel_loop3A_266 = arith.index_cast %parallel_loop3A_208 : i32 to index
        %parallel_loop3A_267 = arith.constant 32 : index
        %parallel_loop3A_268 = tpu.vector_load %arg13[%parallel_loop3A_266, %parallel_loop3A_267] {strides = array<i32>} : memref<128x64xf32, #tpu.memory_space<vmem>>, vector<1x16xf32>,
        %parallel_loop3A_269 = vector.shape_cast %parallel_loop3A_268 : vector<1x16xf32> to vector<16xf32>
        %parallel_loop3A_270 = vector.shape_cast %parallel_loop3A_265 : vector<16xf32> to vector<1x16xf32>
        tpu.vector_store %arg13[%parallel_loop3A_266, %parallel_loop3A_267], %parallel_loop3A_270 {strides = array<i32>} : memref<128x64xf32, #tpu.memory_space<vmem>>, vector<1x16xf32>,
        %parallel_loop3A_271 = arith.constant 48 : i32
        %parallel_loop3A_272 = arith.addi %parallel_loop3A_214, %parallel_loop3A_271 : i32
        %parallel_loop3A_273 = arith.index_cast %parallel_loop3A_208 : i32 to index
        %parallel_loop3A_274 = arith.index_cast %parallel_loop3A_272 : i32 to index
        %parallel_loop3A_275 = tpu.vector_load %arg11[%parallel_loop3A_273, %parallel_loop3A_274] {strides = array<i32>} : memref<128x128xf32, #tpu.memory_space<vmem>>, vector<1x16xf32>,
        %parallel_loop3A_276 = vector.shape_cast %parallel_loop3A_275 : vector<1x16xf32> to vector<16xf32>
        %parallel_loop3A_277 = arith.constant 48 : i32
        %parallel_loop3A_278 = arith.addi %parallel_loop3A_219, %parallel_loop3A_277 : i32
        %parallel_loop3A_279 = arith.index_cast %parallel_loop3A_278 : i32 to index
        %parallel_loop3A_280 = tpu.vector_load %arg9[%parallel_loop3A_279] {strides = array<i32>} : memref<12800xf32, #tpu.memory_space<vmem>>, vector<16xf32>,
        %parallel_loop3A_281 = vector.shape_cast %parallel_loop3A_280 : vector<16xf32> to vector<16xf32>
        %parallel_loop3A_282 = arith.addf %parallel_loop3A_276, %parallel_loop3A_281 : vector<16xf32>
        %parallel_loop3A_283 = arith.index_cast %parallel_loop3A_208 : i32 to index
        %parallel_loop3A_284 = arith.constant 48 : index
        %parallel_loop3A_285 = tpu.vector_load %arg13[%parallel_loop3A_283, %parallel_loop3A_284] {strides = array<i32>} : memref<128x64xf32, #tpu.memory_space<vmem>>, vector<1x16xf32>,
        %parallel_loop3A_286 = vector.shape_cast %parallel_loop3A_285 : vector<1x16xf32> to vector<16xf32>
        %parallel_loop3A_287 = vector.shape_cast %parallel_loop3A_282 : vector<16xf32> to vector<1x16xf32>
        tpu.vector_store %arg13[%parallel_loop3A_283, %parallel_loop3A_284], %parallel_loop3A_287 {strides = array<i32>} : memref<128x64xf32, #tpu.memory_space<vmem>>, vector<1x16xf32>,
      } {sc.loop_unroll_factor = 2 : i64, sc.parallel_access}
      %mul3A_193 = arith.constant 128 : i32
      %mul3A_194 = arith.muli %add3A_170, %mul3A_193 : i32
      %add3A_195 = arith.addi %mul3A_2, %mul3A_194 : i32
      %dma_start3A_196 = arith.constant 0 : i32
      %dma_start3A_197 = tpu.memref_slice %arg5[%add3A_195, %dma_start3A_196] : memref<204800x64xf32, #tpu.memory_space<hbm>> -> memref<128x64xf32, #tpu.memory_space<hbm>>
      %dma_start3A_198 = arith.constant 0 : i32
      %dma_start3A_199 = tpu.memref_slice %arg5[%add3A_195, %dma_start3A_198] : memref<204800x64xf32, #tpu.memory_space<hbm>> -> memref<128x64xf32, #tpu.memory_space<hbm>>
      tpu.enqueue_dma source(%arg13 : memref<128x64xf32, #tpu.memory_space<vmem>>) target(%dma_start3A_199 : memref<128x64xf32, #tpu.memory_space<hbm>>) target_semaphore(%arg17 : memref<!tpu.dma_semaphore, #tpu.memory_space<semaphore_mem>>)
      %add3A_200 = arith.constant 2 : i32
      %add3A_201 = arith.addi %add3A_170, %add3A_200 : i32
      %mul3A_202 = arith.constant 128 : i32
      %mul3A_203 = arith.muli %add3A_201, %mul3A_202 : i32
      %dma_start3A_204 = tpu.memref_slice %arg7[%mul3A_203] : memref<6400xi32, #tpu.memory_space<vmem>> -> memref<128xi32, #tpu.memory_space<vmem>>
      %dma_start3A_205 = arith.constant 0 : i32
      %dma_start3A_206 = arith.constant 0 : i32
      %dma_start3A_207 = tpu.memref_slice %arg4[%dma_start3A_205, %dma_start3A_206] : memref<500000x128xf32, #tpu.memory_space<hbm>> -> memref<500000x128xf32, #tpu.memory_space<hbm>>
      tpu.enqueue_indirect_dma source(%dma_start3A_207 : memref<500000x128xf32, #tpu.memory_space<hbm>>) target(%arg11 : memref<128x128xf32, #tpu.memory_space<vmem>>) offsets(%dma_start3A_204 : memref<128xi32, #tpu.memory_space<vmem>>) semaphore(%arg15 : memref<!tpu.dma_semaphore, #tpu.memory_space<semaphore_mem>>)
    }
    %scan3A_59 = arith.constant 23 : i32
    %dma_wait3A_60 = arith.constant 6144 : i32
    %dma_wait3A_61 = tpu.memref_slice %arg7[%dma_wait3A_60] : memref<6400xi32, #tpu.memory_space<vmem>> -> memref<128xi32, #tpu.memory_space<vmem>>
    %dma_wait3A_62 = arith.constant 0 : i32
    %dma_wait3A_63 = arith.constant 0 : i32
    %dma_wait3A_64 = tpu.memref_slice %arg4[%dma_wait3A_62, %dma_wait3A_63] : memref<500000x128xf32, #tpu.memory_space<hbm>> -> memref<500000x128xf32, #tpu.memory_space<hbm>>
    tpu.wait_indirect_dma semaphore(%arg14 : memref<!tpu.dma_semaphore, #tpu.memory_space<semaphore_mem>>) src(%dma_wait3A_64 : memref<500000x128xf32, #tpu.memory_space<hbm>>) dst(%arg10 : memref<128x128xf32, #tpu.memory_space<vmem>>)
    %add3A_65 = arith.constant 5888 : i32
    %add3A_66 = arith.addi %mul3A_2, %add3A_65 : i32
    %dma_wait3A_67 = arith.constant 0 : i32
    %dma_wait3A_68 = tpu.memref_slice %arg5[%add3A_66, %dma_wait3A_67] : memref<204800x64xf32, #tpu.memory_space<hbm>> -> memref<128x64xf32, #tpu.memory_space<hbm>>
    %dma_wait3A_69 = arith.constant 0 : i32
    %dma_wait3A_70 = tpu.memref_slice %arg5[%add3A_66, %dma_wait3A_69] : memref<204800x64xf32, #tpu.memory_space<hbm>> -> memref<128x64xf32, #tpu.memory_space<hbm>>
    tpu.wait_dma2 semaphore(%arg16 : memref<!tpu.dma_semaphore, #tpu.memory_space<semaphore_mem>>) src(%arg12 : memref<128x64xf32, #tpu.memory_space<vmem>>) dst(%dma_wait3A_70 : memref<128x64xf32, #tpu.memory_space<hbm>>)
    %rem3A_71 = arith.constant 6144 : i32
    %rem3A_72 = arith.constant 200 : i32
    %rem3A_73 = arith.remsi %rem3A_71, %rem3A_72 : i32
    %parallel_loop3A_74 = arith.constant 0 : i32
    %parallel_loop3A_75 = arith.constant 128 : i32
    %parallel_loop3A_76 = arith.constant 1 : i32
    scf.for %parallel_loop3A_118 = %parallel_loop3A_74 to %parallel_loop3A_75 step %parallel_loop3A_76  : i32 {
      %parallel_loop3A_119 = arith.constant 6144 : i32
      %parallel_loop3A_120 = arith.addi %parallel_loop3A_119, %parallel_loop3A_118 : i32
      %parallel_loop3A_121 = arith.index_cast %parallel_loop3A_120 : i32 to index
      %parallel_loop3A_122 = tpu.vector_load %arg8[%parallel_loop3A_121] {strides = array<i32>} : memref<6416xi32, #tpu.memory_space<vmem>>, vector<16xi32>,
      %parallel_loop3A_123 = vector.shape_cast %parallel_loop3A_122 : vector<16xi32> to vector<16xi32>
      %parallel_loop3A_124 = vector.extract_strided_slice %parallel_loop3A_123 {offsets = [0], sizes = [1], strides = [1]} : vector<16xi32> to vector<1xi32>
      %parallel_loop3A_125 = vector.extract %parallel_loop3A_124[0] : i32 from vector<1xi32>
      %parallel_loop3A_126 = arith.addi %rem3A_73, %parallel_loop3A_118 : i32
      %parallel_loop3A_127 = arith.constant 200 : i32
      %parallel_loop3A_128 = arith.remsi %parallel_loop3A_126, %parallel_loop3A_127 : i32
      %parallel_loop3A_129 = arith.constant 64 : i32
      %parallel_loop3A_130 = arith.muli %parallel_loop3A_128, %parallel_loop3A_129 : i32
      %parallel_loop3A_131 = arith.constant 0 : i32
      %parallel_loop3A_132 = arith.addi %parallel_loop3A_125, %parallel_loop3A_131 : i32
      %parallel_loop3A_133 = arith.index_cast %parallel_loop3A_118 : i32 to index
      %parallel_loop3A_134 = arith.index_cast %parallel_loop3A_132 : i32 to index
      %parallel_loop3A_135 = tpu.vector_load %arg10[%parallel_loop3A_133, %parallel_loop3A_134] {strides = array<i32>} : memref<128x128xf32, #tpu.memory_space<vmem>>, vector<1x16xf32>,
      %parallel_loop3A_136 = vector.shape_cast %parallel_loop3A_135 : vector<1x16xf32> to vector<16xf32>
      %parallel_loop3A_137 = arith.constant 0 : i32
      %parallel_loop3A_138 = arith.addi %parallel_loop3A_130, %parallel_loop3A_137 : i32
      %parallel_loop3A_139 = arith.index_cast %parallel_loop3A_138 : i32 to index
      %parallel_loop3A_140 = tpu.vector_load %arg9[%parallel_loop3A_139] {strides = array<i32>} : memref<12800xf32, #tpu.memory_space<vmem>>, vector<16xf32>,
      %parallel_loop3A_141 = vector.shape_cast %parallel_loop3A_140 : vector<16xf32> to vector<16xf32>
      %parallel_loop3A_142 = arith.addf %parallel_loop3A_136, %parallel_loop3A_141 : vector<16xf32>
      %parallel_loop3A_143 = arith.index_cast %parallel_loop3A_118 : i32 to index
      %parallel_loop3A_144 = arith.constant 0 : index
      %parallel_loop3A_145 = tpu.vector_load %arg12[%parallel_loop3A_143, %parallel_loop3A_144] {strides = array<i32>} : memref<128x64xf32, #tpu.memory_space<vmem>>, vector<1x16xf32>,
      %parallel_loop3A_146 = vector.shape_cast %parallel_loop3A_145 : vector<1x16xf32> to vector<16xf32>
      %parallel_loop3A_147 = vector.shape_cast %parallel_loop3A_142 : vector<16xf32> to vector<1x16xf32>
      tpu.vector_store %arg12[%parallel_loop3A_143, %parallel_loop3A_144], %parallel_loop3A_147 {strides = array<i32>} : memref<128x64xf32, #tpu.memory_space<vmem>>, vector<1x16xf32>,
      %parallel_loop3A_148 = arith.constant 16 : i32
      %parallel_loop3A_149 = arith.addi %parallel_loop3A_125, %parallel_loop3A_148 : i32
      %parallel_loop3A_150 = arith.index_cast %parallel_loop3A_118 : i32 to index
      %parallel_loop3A_151 = arith.index_cast %parallel_loop3A_149 : i32 to index
      %parallel_loop3A_152 = tpu.vector_load %arg10[%parallel_loop3A_150, %parallel_loop3A_151] {strides = array<i32>} : memref<128x128xf32, #tpu.memory_space<vmem>>, vector<1x16xf32>,
      %parallel_loop3A_153 = vector.shape_cast %parallel_loop3A_152 : vector<1x16xf32> to vector<16xf32>
      %parallel_loop3A_154 = arith.constant 16 : i32
      %parallel_loop3A_155 = arith.addi %parallel_loop3A_130, %parallel_loop3A_154 : i32
      %parallel_loop3A_156 = arith.index_cast %parallel_loop3A_155 : i32 to index
      %parallel_loop3A_157 = tpu.vector_load %arg9[%parallel_loop3A_156] {strides = array<i32>} : memref<12800xf32, #tpu.memory_space<vmem>>, vector<16xf32>,
      %parallel_loop3A_158 = vector.shape_cast %parallel_loop3A_157 : vector<16xf32> to vector<16xf32>
      %parallel_loop3A_159 = arith.addf %parallel_loop3A_153, %parallel_loop3A_158 : vector<16xf32>
      %parallel_loop3A_160 = arith.index_cast %parallel_loop3A_118 : i32 to index
      %parallel_loop3A_161 = arith.constant 16 : index
      %parallel_loop3A_162 = tpu.vector_load %arg12[%parallel_loop3A_160, %parallel_loop3A_161] {strides = array<i32>} : memref<128x64xf32, #tpu.memory_space<vmem>>, vector<1x16xf32>,
      %parallel_loop3A_163 = vector.shape_cast %parallel_loop3A_162 : vector<1x16xf32> to vector<16xf32>
      %parallel_loop3A_164 = vector.shape_cast %parallel_loop3A_159 : vector<16xf32> to vector<1x16xf32>
      tpu.vector_store %arg12[%parallel_loop3A_160, %parallel_loop3A_161], %parallel_loop3A_164 {strides = array<i32>} : memref<128x64xf32, #tpu.memory_space<vmem>>, vector<1x16xf32>,
      %parallel_loop3A_165 = arith.constant 32 : i32
      %parallel_loop3A_166 = arith.addi %parallel_loop3A_125, %parallel_loop3A_165 : i32
      %parallel_loop3A_167 = arith.index_cast %parallel_loop3A_118 : i32 to index
      %parallel_loop3A_168 = arith.index_cast %parallel_loop3A_166 : i32 to index
      %parallel_loop3A_169 = tpu.vector_load %arg10[%parallel_loop3A_167, %parallel_loop3A_168] {strides = array<i32>} : memref<128x128xf32, #tpu.memory_space<vmem>>, vector<1x16xf32>,
      %parallel_loop3A_170 = vector.shape_cast %parallel_loop3A_169 : vector<1x16xf32> to vector<16xf32>
      %parallel_loop3A_171 = arith.constant 32 : i32
      %parallel_loop3A_172 = arith.addi %parallel_loop3A_130, %parallel_loop3A_171 : i32
      %parallel_loop3A_173 = arith.index_cast %parallel_loop3A_172 : i32 to index
      %parallel_loop3A_174 = tpu.vector_load %arg9[%parallel_loop3A_173] {strides = array<i32>} : memref<12800xf32, #tpu.memory_space<vmem>>, vector<16xf32>,
      %parallel_loop3A_175 = vector.shape_cast %parallel_loop3A_174 : vector<16xf32> to vector<16xf32>
      %parallel_loop3A_176 = arith.addf %parallel_loop3A_170, %parallel_loop3A_175 : vector<16xf32>
      %parallel_loop3A_177 = arith.index_cast %parallel_loop3A_118 : i32 to index
      %parallel_loop3A_178 = arith.constant 32 : index
      %parallel_loop3A_179 = tpu.vector_load %arg12[%parallel_loop3A_177, %parallel_loop3A_178] {strides = array<i32>} : memref<128x64xf32, #tpu.memory_space<vmem>>, vector<1x16xf32>,
      %parallel_loop3A_180 = vector.shape_cast %parallel_loop3A_179 : vector<1x16xf32> to vector<16xf32>
      %parallel_loop3A_181 = vector.shape_cast %parallel_loop3A_176 : vector<16xf32> to vector<1x16xf32>
      tpu.vector_store %arg12[%parallel_loop3A_177, %parallel_loop3A_178], %parallel_loop3A_181 {strides = array<i32>} : memref<128x64xf32, #tpu.memory_space<vmem>>, vector<1x16xf32>,
      %parallel_loop3A_182 = arith.constant 48 : i32
      %parallel_loop3A_183 = arith.addi %parallel_loop3A_125, %parallel_loop3A_182 : i32
      %parallel_loop3A_184 = arith.index_cast %parallel_loop3A_118 : i32 to index
      %parallel_loop3A_185 = arith.index_cast %parallel_loop3A_183 : i32 to index
      %parallel_loop3A_186 = tpu.vector_load %arg10[%parallel_loop3A_184, %parallel_loop3A_185] {strides = array<i32>} : memref<128x128xf32, #tpu.memory_space<vmem>>, vector<1x16xf32>,
      %parallel_loop3A_187 = vector.shape_cast %parallel_loop3A_186 : vector<1x16xf32> to vector<16xf32>
      %parallel_loop3A_188 = arith.constant 48 : i32
      %parallel_loop3A_189 = arith.addi %parallel_loop3A_130, %parallel_loop3A_188 : i32
      %parallel_loop3A_190 = arith.index_cast %parallel_loop3A_189 : i32 to index
      %parallel_loop3A_191 = tpu.vector_load %arg9[%parallel_loop3A_190] {strides = array<i32>} : memref<12800xf32, #tpu.memory_space<vmem>>, vector<16xf32>,
      %parallel_loop3A_192 = vector.shape_cast %parallel_loop3A_191 : vector<16xf32> to vector<16xf32>
      %parallel_loop3A_193 = arith.addf %parallel_loop3A_187, %parallel_loop3A_192 : vector<16xf32>
      %parallel_loop3A_194 = arith.index_cast %parallel_loop3A_118 : i32 to index
      %parallel_loop3A_195 = arith.constant 48 : index
      %parallel_loop3A_196 = tpu.vector_load %arg12[%parallel_loop3A_194, %parallel_loop3A_195] {strides = array<i32>} : memref<128x64xf32, #tpu.memory_space<vmem>>, vector<1x16xf32>,
      %parallel_loop3A_197 = vector.shape_cast %parallel_loop3A_196 : vector<1x16xf32> to vector<16xf32>
      %parallel_loop3A_198 = vector.shape_cast %parallel_loop3A_193 : vector<16xf32> to vector<1x16xf32>
      tpu.vector_store %arg12[%parallel_loop3A_194, %parallel_loop3A_195], %parallel_loop3A_198 {strides = array<i32>} : memref<128x64xf32, #tpu.memory_space<vmem>>, vector<1x16xf32>,
    } {sc.loop_unroll_factor = 2 : i64, sc.parallel_access}
    %add3A_77 = arith.constant 6144 : i32
    %add3A_78 = arith.addi %mul3A_2, %add3A_77 : i32
    %dma_start3A_79 = arith.constant 0 : i32
    %dma_start3A_80 = tpu.memref_slice %arg5[%add3A_78, %dma_start3A_79] : memref<204800x64xf32, #tpu.memory_space<hbm>> -> memref<128x64xf32, #tpu.memory_space<hbm>>
    %dma_start3A_81 = arith.constant 0 : i32
    %dma_start3A_82 = tpu.memref_slice %arg5[%add3A_78, %dma_start3A_81] : memref<204800x64xf32, #tpu.memory_space<hbm>> -> memref<128x64xf32, #tpu.memory_space<hbm>>
    tpu.enqueue_dma source(%arg12 : memref<128x64xf32, #tpu.memory_space<vmem>>) target(%dma_start3A_82 : memref<128x64xf32, #tpu.memory_space<hbm>>) target_semaphore(%arg16 : memref<!tpu.dma_semaphore, #tpu.memory_space<semaphore_mem>>)
    %dma_wait3A_83 = arith.constant 6272 : i32
    %dma_wait3A_84 = tpu.memref_slice %arg7[%dma_wait3A_83] : memref<6400xi32, #tpu.memory_space<vmem>> -> memref<128xi32, #tpu.memory_space<vmem>>
    %dma_wait3A_85 = arith.constant 0 : i32
    %dma_wait3A_86 = arith.constant 0 : i32
    %dma_wait3A_87 = tpu.memref_slice %arg4[%dma_wait3A_85, %dma_wait3A_86] : memref<500000x128xf32, #tpu.memory_space<hbm>> -> memref<500000x128xf32, #tpu.memory_space<hbm>>
    tpu.wait_indirect_dma semaphore(%arg15 : memref<!tpu.dma_semaphore, #tpu.memory_space<semaphore_mem>>) src(%dma_wait3A_87 : memref<500000x128xf32, #tpu.memory_space<hbm>>) dst(%arg11 : memref<128x128xf32, #tpu.memory_space<vmem>>)
    %add3A_88 = arith.constant 6016 : i32
    %add3A_89 = arith.addi %mul3A_2, %add3A_88 : i32
    %dma_wait3A_90 = arith.constant 0 : i32
    %dma_wait3A_91 = tpu.memref_slice %arg5[%add3A_89, %dma_wait3A_90] : memref<204800x64xf32, #tpu.memory_space<hbm>> -> memref<128x64xf32, #tpu.memory_space<hbm>>
    %dma_wait3A_92 = arith.constant 0 : i32
    %dma_wait3A_93 = tpu.memref_slice %arg5[%add3A_89, %dma_wait3A_92] : memref<204800x64xf32, #tpu.memory_space<hbm>> -> memref<128x64xf32, #tpu.memory_space<hbm>>
    tpu.wait_dma2 semaphore(%arg17 : memref<!tpu.dma_semaphore, #tpu.memory_space<semaphore_mem>>) src(%arg13 : memref<128x64xf32, #tpu.memory_space<vmem>>) dst(%dma_wait3A_93 : memref<128x64xf32, #tpu.memory_space<hbm>>)
    %rem3A_94 = arith.constant 6272 : i32
    %rem3A_95 = arith.constant 200 : i32
    %rem3A_96 = arith.remsi %rem3A_94, %rem3A_95 : i32
    %parallel_loop3A_97 = arith.constant 0 : i32
    %parallel_loop3A_98 = arith.constant 128 : i32
    %parallel_loop3A_99 = arith.constant 1 : i32
    scf.for %parallel_loop3A_118 = %parallel_loop3A_97 to %parallel_loop3A_98 step %parallel_loop3A_99  : i32 {
      %parallel_loop3A_119 = arith.constant 6272 : i32
      %parallel_loop3A_120 = arith.addi %parallel_loop3A_119, %parallel_loop3A_118 : i32
      %parallel_loop3A_121 = arith.index_cast %parallel_loop3A_120 : i32 to index
      %parallel_loop3A_122 = tpu.vector_load %arg8[%parallel_loop3A_121] {strides = array<i32>} : memref<6416xi32, #tpu.memory_space<vmem>>, vector<16xi32>,
      %parallel_loop3A_123 = vector.shape_cast %parallel_loop3A_122 : vector<16xi32> to vector<16xi32>
      %parallel_loop3A_124 = vector.extract_strided_slice %parallel_loop3A_123 {offsets = [0], sizes = [1], strides = [1]} : vector<16xi32> to vector<1xi32>
      %parallel_loop3A_125 = vector.extract %parallel_loop3A_124[0] : i32 from vector<1xi32>
      %parallel_loop3A_126 = arith.addi %rem3A_96, %parallel_loop3A_118 : i32
      %parallel_loop3A_127 = arith.constant 200 : i32
      %parallel_loop3A_128 = arith.remsi %parallel_loop3A_126, %parallel_loop3A_127 : i32
      %parallel_loop3A_129 = arith.constant 64 : i32
      %parallel_loop3A_130 = arith.muli %parallel_loop3A_128, %parallel_loop3A_129 : i32
      %parallel_loop3A_131 = arith.constant 0 : i32
      %parallel_loop3A_132 = arith.addi %parallel_loop3A_125, %parallel_loop3A_131 : i32
      %parallel_loop3A_133 = arith.index_cast %parallel_loop3A_118 : i32 to index
      %parallel_loop3A_134 = arith.index_cast %parallel_loop3A_132 : i32 to index
      %parallel_loop3A_135 = tpu.vector_load %arg11[%parallel_loop3A_133, %parallel_loop3A_134] {strides = array<i32>} : memref<128x128xf32, #tpu.memory_space<vmem>>, vector<1x16xf32>,
      %parallel_loop3A_136 = vector.shape_cast %parallel_loop3A_135 : vector<1x16xf32> to vector<16xf32>
      %parallel_loop3A_137 = arith.constant 0 : i32
      %parallel_loop3A_138 = arith.addi %parallel_loop3A_130, %parallel_loop3A_137 : i32
      %parallel_loop3A_139 = arith.index_cast %parallel_loop3A_138 : i32 to index
      %parallel_loop3A_140 = tpu.vector_load %arg9[%parallel_loop3A_139] {strides = array<i32>} : memref<12800xf32, #tpu.memory_space<vmem>>, vector<16xf32>,
      %parallel_loop3A_141 = vector.shape_cast %parallel_loop3A_140 : vector<16xf32> to vector<16xf32>
      %parallel_loop3A_142 = arith.addf %parallel_loop3A_136, %parallel_loop3A_141 : vector<16xf32>
      %parallel_loop3A_143 = arith.index_cast %parallel_loop3A_118 : i32 to index
      %parallel_loop3A_144 = arith.constant 0 : index
      %parallel_loop3A_145 = tpu.vector_load %arg13[%parallel_loop3A_143, %parallel_loop3A_144] {strides = array<i32>} : memref<128x64xf32, #tpu.memory_space<vmem>>, vector<1x16xf32>,
      %parallel_loop3A_146 = vector.shape_cast %parallel_loop3A_145 : vector<1x16xf32> to vector<16xf32>
      %parallel_loop3A_147 = vector.shape_cast %parallel_loop3A_142 : vector<16xf32> to vector<1x16xf32>
      tpu.vector_store %arg13[%parallel_loop3A_143, %parallel_loop3A_144], %parallel_loop3A_147 {strides = array<i32>} : memref<128x64xf32, #tpu.memory_space<vmem>>, vector<1x16xf32>,
      %parallel_loop3A_148 = arith.constant 16 : i32
      %parallel_loop3A_149 = arith.addi %parallel_loop3A_125, %parallel_loop3A_148 : i32
      %parallel_loop3A_150 = arith.index_cast %parallel_loop3A_118 : i32 to index
      %parallel_loop3A_151 = arith.index_cast %parallel_loop3A_149 : i32 to index
      %parallel_loop3A_152 = tpu.vector_load %arg11[%parallel_loop3A_150, %parallel_loop3A_151] {strides = array<i32>} : memref<128x128xf32, #tpu.memory_space<vmem>>, vector<1x16xf32>,
      %parallel_loop3A_153 = vector.shape_cast %parallel_loop3A_152 : vector<1x16xf32> to vector<16xf32>
      %parallel_loop3A_154 = arith.constant 16 : i32
      %parallel_loop3A_155 = arith.addi %parallel_loop3A_130, %parallel_loop3A_154 : i32
      %parallel_loop3A_156 = arith.index_cast %parallel_loop3A_155 : i32 to index
      %parallel_loop3A_157 = tpu.vector_load %arg9[%parallel_loop3A_156] {strides = array<i32>} : memref<12800xf32, #tpu.memory_space<vmem>>, vector<16xf32>,
      %parallel_loop3A_158 = vector.shape_cast %parallel_loop3A_157 : vector<16xf32> to vector<16xf32>
      %parallel_loop3A_159 = arith.addf %parallel_loop3A_153, %parallel_loop3A_158 : vector<16xf32>
      %parallel_loop3A_160 = arith.index_cast %parallel_loop3A_118 : i32 to index
      %parallel_loop3A_161 = arith.constant 16 : index
      %parallel_loop3A_162 = tpu.vector_load %arg13[%parallel_loop3A_160, %parallel_loop3A_161] {strides = array<i32>} : memref<128x64xf32, #tpu.memory_space<vmem>>, vector<1x16xf32>,
      %parallel_loop3A_163 = vector.shape_cast %parallel_loop3A_162 : vector<1x16xf32> to vector<16xf32>
      %parallel_loop3A_164 = vector.shape_cast %parallel_loop3A_159 : vector<16xf32> to vector<1x16xf32>
      tpu.vector_store %arg13[%parallel_loop3A_160, %parallel_loop3A_161], %parallel_loop3A_164 {strides = array<i32>} : memref<128x64xf32, #tpu.memory_space<vmem>>, vector<1x16xf32>,
      %parallel_loop3A_165 = arith.constant 32 : i32
      %parallel_loop3A_166 = arith.addi %parallel_loop3A_125, %parallel_loop3A_165 : i32
      %parallel_loop3A_167 = arith.index_cast %parallel_loop3A_118 : i32 to index
      %parallel_loop3A_168 = arith.index_cast %parallel_loop3A_166 : i32 to index
      %parallel_loop3A_169 = tpu.vector_load %arg11[%parallel_loop3A_167, %parallel_loop3A_168] {strides = array<i32>} : memref<128x128xf32, #tpu.memory_space<vmem>>, vector<1x16xf32>,
      %parallel_loop3A_170 = vector.shape_cast %parallel_loop3A_169 : vector<1x16xf32> to vector<16xf32>
      %parallel_loop3A_171 = arith.constant 32 : i32
      %parallel_loop3A_172 = arith.addi %parallel_loop3A_130, %parallel_loop3A_171 : i32
      %parallel_loop3A_173 = arith.index_cast %parallel_loop3A_172 : i32 to index
      %parallel_loop3A_174 = tpu.vector_load %arg9[%parallel_loop3A_173] {strides = array<i32>} : memref<12800xf32, #tpu.memory_space<vmem>>, vector<16xf32>,
      %parallel_loop3A_175 = vector.shape_cast %parallel_loop3A_174 : vector<16xf32> to vector<16xf32>
      %parallel_loop3A_176 = arith.addf %parallel_loop3A_170, %parallel_loop3A_175 : vector<16xf32>
      %parallel_loop3A_177 = arith.index_cast %parallel_loop3A_118 : i32 to index
      %parallel_loop3A_178 = arith.constant 32 : index
      %parallel_loop3A_179 = tpu.vector_load %arg13[%parallel_loop3A_177, %parallel_loop3A_178] {strides = array<i32>} : memref<128x64xf32, #tpu.memory_space<vmem>>, vector<1x16xf32>,
      %parallel_loop3A_180 = vector.shape_cast %parallel_loop3A_179 : vector<1x16xf32> to vector<16xf32>
      %parallel_loop3A_181 = vector.shape_cast %parallel_loop3A_176 : vector<16xf32> to vector<1x16xf32>
      tpu.vector_store %arg13[%parallel_loop3A_177, %parallel_loop3A_178], %parallel_loop3A_181 {strides = array<i32>} : memref<128x64xf32, #tpu.memory_space<vmem>>, vector<1x16xf32>,
      %parallel_loop3A_182 = arith.constant 48 : i32
      %parallel_loop3A_183 = arith.addi %parallel_loop3A_125, %parallel_loop3A_182 : i32
      %parallel_loop3A_184 = arith.index_cast %parallel_loop3A_118 : i32 to index
      %parallel_loop3A_185 = arith.index_cast %parallel_loop3A_183 : i32 to index
      %parallel_loop3A_186 = tpu.vector_load %arg11[%parallel_loop3A_184, %parallel_loop3A_185] {strides = array<i32>} : memref<128x128xf32, #tpu.memory_space<vmem>>, vector<1x16xf32>,
      %parallel_loop3A_187 = vector.shape_cast %parallel_loop3A_186 : vector<1x16xf32> to vector<16xf32>
      %parallel_loop3A_188 = arith.constant 48 : i32
      %parallel_loop3A_189 = arith.addi %parallel_loop3A_130, %parallel_loop3A_188 : i32
      %parallel_loop3A_190 = arith.index_cast %parallel_loop3A_189 : i32 to index
      %parallel_loop3A_191 = tpu.vector_load %arg9[%parallel_loop3A_190] {strides = array<i32>} : memref<12800xf32, #tpu.memory_space<vmem>>, vector<16xf32>,
      %parallel_loop3A_192 = vector.shape_cast %parallel_loop3A_191 : vector<16xf32> to vector<16xf32>
      %parallel_loop3A_193 = arith.addf %parallel_loop3A_187, %parallel_loop3A_192 : vector<16xf32>
      %parallel_loop3A_194 = arith.index_cast %parallel_loop3A_118 : i32 to index
      %parallel_loop3A_195 = arith.constant 48 : index
      %parallel_loop3A_196 = tpu.vector_load %arg13[%parallel_loop3A_194, %parallel_loop3A_195] {strides = array<i32>} : memref<128x64xf32, #tpu.memory_space<vmem>>, vector<1x16xf32>,
      %parallel_loop3A_197 = vector.shape_cast %parallel_loop3A_196 : vector<1x16xf32> to vector<16xf32>
      %parallel_loop3A_198 = vector.shape_cast %parallel_loop3A_193 : vector<16xf32> to vector<1x16xf32>
      tpu.vector_store %arg13[%parallel_loop3A_194, %parallel_loop3A_195], %parallel_loop3A_198 {strides = array<i32>} : memref<128x64xf32, #tpu.memory_space<vmem>>, vector<1x16xf32>,
    } {sc.loop_unroll_factor = 2 : i64, sc.parallel_access}
    %add3A_100 = arith.constant 6272 : i32
    %add3A_101 = arith.addi %mul3A_2, %add3A_100 : i32
    %dma_start3A_102 = arith.constant 0 : i32
    %dma_start3A_103 = tpu.memref_slice %arg5[%add3A_101, %dma_start3A_102] : memref<204800x64xf32, #tpu.memory_space<hbm>> -> memref<128x64xf32, #tpu.memory_space<hbm>>
    %dma_start3A_104 = arith.constant 0 : i32
    %dma_start3A_105 = tpu.memref_slice %arg5[%add3A_101, %dma_start3A_104] : memref<204800x64xf32, #tpu.memory_space<hbm>> -> memref<128x64xf32, #tpu.memory_space<hbm>>
    tpu.enqueue_dma source(%arg13 : memref<128x64xf32, #tpu.memory_space<vmem>>) target(%dma_start3A_105 : memref<128x64xf32, #tpu.memory_space<hbm>>) target_semaphore(%arg17 : memref<!tpu.dma_semaphore, #tpu.memory_space<semaphore_mem>>)
    %add3A_106 = arith.constant 6144 : i32
    %add3A_107 = arith.addi %mul3A_2, %add3A_106 : i32
    %dma_wait3A_108 = arith.constant 0 : i32
    %dma_wait3A_109 = tpu.memref_slice %arg5[%add3A_107, %dma_wait3A_108] : memref<204800x64xf32, #tpu.memory_space<hbm>> -> memref<128x64xf32, #tpu.memory_space<hbm>>
    %dma_wait3A_110 = arith.constant 0 : i32
    %dma_wait3A_111 = tpu.memref_slice %arg5[%add3A_107, %dma_wait3A_110] : memref<204800x64xf32, #tpu.memory_space<hbm>> -> memref<128x64xf32, #tpu.memory_space<hbm>>
    tpu.wait_dma2 semaphore(%arg16 : memref<!tpu.dma_semaphore, #tpu.memory_space<semaphore_mem>>) src(%arg12 : memref<128x64xf32, #tpu.memory_space<vmem>>) dst(%dma_wait3A_111 : memref<128x64xf32, #tpu.memory_space<hbm>>)
    %add3A_112 = arith.constant 6272 : i32
    %add3A_113 = arith.addi %mul3A_2, %add3A_112 : i32
    %dma_wait3A_114 = arith.constant 0 : i32
    %dma_wait3A_115 = tpu.memref_slice %arg5[%add3A_113, %dma_wait3A_114] : memref<204800x64xf32, #tpu.memory_space<hbm>> -> memref<128x64xf32, #tpu.memory_space<hbm>>
    %dma_wait3A_116 = arith.constant 0 : i32
    %dma_wait3A_117 = tpu.memref_slice %arg5[%add3A_113, %dma_wait3A_116] : memref<204800x64xf32, #tpu.memory_space<hbm>> -> memref<128x64xf32, #tpu.memory_space<hbm>>
    tpu.wait_dma2 semaphore(%arg17 : memref<!tpu.dma_semaphore, #tpu.memory_space<semaphore_mem>>) src(%arg13 : memref<128x64xf32, #tpu.memory_space<vmem>>) dst(%dma_wait3A_117 : memref<128x64xf32, #tpu.memory_space<hbm>>)
    return
  }
}

</mosaic_0001>

<sc_bundles>
// kernel: kernel.3.cloned.1.call-start
scs
__scs_entry_jumppad:
0x0: {  	(pc) =	sbr.rel $0x88, $3  }
0x1: {  	(tag) =	ssettag $0x0;
	lr =	simm.s32 $0x1  }
0x2: {  	[smem:$0x3F9F] =	sst lr;
	_ =	strace $0xD0000000  }
0x3: {  	_ = 	snop  }
0x4: {  	_ = 	snop  }
0x5: {  	_ = 	snop  }
0x6: {  	_ = 	snop  }
0x7: {  	_ = 	snop  }
__scs_overlays_trampoline_lowered:
0x8: {  	[smem:$0x3FAE] =	sst s0  }
0x9: {  	[smem:$0x3FAF] =	sst s1  }
0xa: {  	[smem:$0x3FB0] =	sst s2  }
0xb: {  	[smem:$0x3FB1] =	sst s3  }
0xc: {  	[smem:$0x3FB2] =	sst s4  }
0xd: {  	[smem:$0x3FB3] =	sst s5  }
0xe: {  	[smem:$0x3FB4] =	sst s6  }
0xf: {  	[smem:$0x3FB5] =	sst s7  }
0x10: {  	[smem:$0x3FB6] =	sst s8  }
0x11: {  	[smem:$0x3FB7] =	sst s9;
	s0 =	simm.s32 @!p0 $0x0  }
0x12: {  	s1 =	sld [smem:$0x3F9D];
	s0 =	simm.s32 @p0 $0x1  }
0x13: {  	[smem:$0x3FB8] =	sst s0;
	s0 =	simm.s32 @!p1 $0x0  }
0x14: {  	s2 =	sld [smem:$0x3F9C];
	s0 =	simm.s32 @p1 $0x1  }
0x15: {  	[smem:$0x3FB9] =	sst s0;
	s0 =	simm.s32 @!p2 $0x0  }
0x16: {  	s3 =	sld [smem:$0x3FDB];
	s0 =	simm.s32 @p2 $0x1  }
0x17: {  	s4 =	simm.s32 $0x1BF5;
	[smem:$0x3FBB] =	sst s0  }
0x18: {  	s0 =	sld [smem:$0x3F9E];
	_ =	swait.ge [sflag:s4], $0x0  }
0x19: {  	s7 =	sld [smem:$0x3F9F]  }
0x1a: {  	s8 =	sadd.s32 $0xFFFFE003, lr  }
0x1b: {  	s9 =	sadd.s32 $0xFFFFFEF7, lr;
	s5 =	simm.s32 $0xFFFFFFFF;
	p2 =	slt.u32 s8, $0xFFFFF086  }
0x1c: {  	p1 =	slt.u32 s9, $0xF7A;
	s5 =	simm.s32 @!p2 $0x0  }
0x1d: {  	s5 =	simm.s32 @p1 $0x1;
	p0 =	seq.s32 s7, s2  }
0x1e: {  	s7 =	smul.u32 @!p0 $0xF7A, s2;
	p2 =	seq.s32 @!p0 s5, $0x0  }
0x1f: {  	s9 =	smul.u32 $0xF7A, s1;
	s8 =	simm.s32 @!p0 $0x1BF5;
	p2 =	por !p2, p0  }
0x20: {  	[sflag:s8] =	ssyncset.s32 @!p0 $0xFFFFF086;
	s6 =	sadd.s32 @!p0 s3, s7;
	s7 =	simm.s32 @!p0 $0x108  }
0x21: {  	s3 =	sadd.s32 s3, s9;
	s6 =	sadd.s32 @!p0 $0x88, s6;
	s7 =	simm.s32 @p2 $0x1082  }
0x22: {  	[simem:s7], [sflag:s8] =	dma.local @!p0 [hbm:s6], $0xF7A  }
0x23: {  	s9 =	sor.u32 $0xD0000000, s2;
	s6 =	simm.s32 $0x108;
	_ =	swait.ge @!p0 [sflag:s8], $0x0  }
0x24: {  	s3 =	sadd.s32 $0x88, s3;
	s6 =	simm.s32 @!p1 $0x1082;
	[sflag:s4] =	ssyncset.s32 $0xFFFFF086  }
0x25: {  	[simem:s6], [sflag:s4] =	dma.local [hbm:s3], $0xF7A  }
0x26: {  	[smem:$0x3F9F] =	sst s1;
	(tag) =	ssettag s2;
	_ =	strace s9  }
0x27: {  	s1 =	sld [smem:$0x3FAF]  }
0x28: {  	s2 =	sld [smem:$0x3FB0]  }
0x29: {  	s4 =	sld [smem:$0x3FB2]  }
0x2a: {  	p0 =	seq.s32 s5, $0x0;
	s5 =	sld [smem:$0x3FB3]  }
0x2b: {  	s6 =	sld [smem:$0x3FB4]  }
0x2c: {  	s7 =	sld [smem:$0x3FB5]  }
0x2d: {  	s3 =	simm.s32 $0x108;
	s8 =	sld [smem:$0x3FB6]  }
0x2e: {  	s3 =	simm.s32 @!p0 $0x1082;
	s9 =	sld [smem:$0x3FB7]  }
0x2f: {  	lr =	sadd.s32 s0, s3;
	s0 =	sld [smem:$0x3FAE]  }
0x30: {  	s3 =	sld [smem:$0x3FB1]  }
0x31: {  	[smem:$0x3FBA] =	sst s10  }
0x32: {  	s10 =	sld [smem:$0x3FB8];
	_ =	sdelay $0x3  }
0x33: {  	p0 =	seq.s32 s10, $0x1;
	s10 =	sld [smem:$0x3FBA];
	_ =	sdelay $0x3  }
0x34: {  	[smem:$0x3FBA] =	sst s10  }
0x35: {  	s10 =	sld [smem:$0x3FB9];
	_ =	sdelay $0x3  }
0x36: {  	p1 =	seq.s32 s10, $0x1;
	s10 =	sld [smem:$0x3FBA];
	_ =	sdelay $0x3  }
0x37: {  	[smem:$0x3FBA] =	sst s10  }
0x38: {  	s10 =	sld [smem:$0x3FBB]  }
0x39: {  	_ = 	snop;
	(pc) =	sbr.ind lr, $3  }
0x3a: {  	_ = 	snop  }
0x3b: {  	_ = 	snop  }
0x3c: {  	p2 =	seq.s32 s10, $0x1;
	s10 =	sld [smem:$0x3FBA]  }
0x3d: {  	_ =	shalt  }
0x3e: {  	_ =	shalt  }
0x3f: {  	_ =	shalt  }
0x40: {  	_ =	shalt  }
0x41: {  	_ =	shalt  }
0x42: {  	_ =	shalt  }
0x43: {  	_ =	shalt  }
0x44: {  	_ =	shalt  }
0x45: {  	_ =	shalt  }
0x46: {  	_ =	shalt  }
0x47: {  	_ =	shalt  }
0x48: {  	_ =	shalt  }
0x49: {  	_ =	shalt  }
0x4a: {  	_ =	shalt  }
0x4b: {  	_ =	shalt  }
0x4c: {  	_ =	shalt  }
0x4d: {  	_ =	shalt  }
0x4e: {  	_ =	shalt  }
0x4f: {  	_ =	shalt  }
0x50: {  	_ =	shalt  }
0x51: {  	_ =	shalt  }
0x52: {  	_ =	shalt  }
0x53: {  	_ =	shalt  }
0x54: {  	_ =	shalt  }
0x55: {  	_ =	shalt  }
0x56: {  	_ =	shalt  }
0x57: {  	_ =	shalt  }
0x58: {  	_ =	shalt  }
0x59: {  	_ =	shalt  }
0x5a: {  	_ =	shalt  }
0x5b: {  	_ =	shalt  }
0x5c: {  	_ =	shalt  }
0x5d: {  	_ =	shalt  }
0x5e: {  	_ =	shalt  }
0x5f: {  	_ =	shalt  }
0x60: {  	_ =	shalt  }
0x61: {  	_ =	shalt  }
0x62: {  	_ =	shalt  }
0x63: {  	_ =	shalt  }
0x64: {  	_ =	shalt  }
0x65: {  	_ =	shalt  }
0x66: {  	_ =	shalt  }
0x67: {  	_ =	shalt  }
0x68: {  	_ =	shalt  }
0x69: {  	_ =	shalt  }
0x6a: {  	_ =	shalt  }
0x6b: {  	_ =	shalt  }
0x6c: {  	_ =	shalt  }
0x6d: {  	_ =	shalt  }
0x6e: {  	_ =	shalt  }
0x6f: {  	_ =	shalt  }
0x70: {  	_ =	shalt  }
0x71: {  	_ =	shalt  }
0x72: {  	_ =	shalt  }
0x73: {  	_ =	shalt  }
0x74: {  	_ =	shalt  }
0x75: {  	_ =	shalt  }
0x76: {  	_ =	shalt  }
0x77: {  	_ =	shalt  }
0x78: {  	_ =	shalt  }
0x79: {  	_ =	shalt  }
0x7a: {  	_ =	shalt  }
0x7b: {  	_ =	shalt  }
0x7c: {  	_ =	shalt  }
0x7d: {  	_ =	shalt  }
0x7e: {  	_ =	shalt  }
0x7f: {  	_ =	shalt  }
0x80: {  	_ =	shalt  }
0x81: {  	_ =	shalt  }
0x82: {  	_ =	shalt  }
0x83: {  	_ =	shalt  }
0x84: {  	_ =	shalt  }
0x85: {  	_ =	shalt  }
0x86: {  	_ =	shalt  }
0x87: {  	_ =	shalt  }
.Lfunc_end0:
.L_simem_size_0:
called_computation.1_lowered:
.L_overlay_start_0:
0x88: {  	s2 =	sld [smem:$0x3FD9]  }
0x89: {  	s3 =	sld [smem:$0x3FFE];
	_ =	sdelay $0x1  }
0x8a: {  	s1 =	srdreg.scid  }
0x8b: {  	s0 =	sand.u32 $0x1, s1  }
0x8c: {  	s17 =	sshll.u32 s0, $0xA;
	s2 =	sadd.s32 s3, s2  }
0x8d: {  	s2 =	sadd.s32 s2, s17  }
0x8e: {  	[smem:$0x3FC6] =	sst s2  }
0x8f: {  	_ = 	snop  }
0x90: {  	s2 =	sld [smem:$0x3FD0];
	(tm) =	ssettm $0x1  }
0x91: {  	s18 =	sld [smem:$0x3FFB];
	_ =	sdelay $0x3  }
0x92: {  	_ =	strace s18  }
0x93: {  	s3 =	sld [smem:$0x3FFC];
	_ =	sdelay $0x3  }
0x94: {  	_ =	strace s3  }
0x95: {  	s3 =	sld [smem:$0x3FFD];
	_ =	sdelay $0x3  }
0x96: {  	_ =	strace s3  }
0x97: {  	_ =	strace $0x8FFFFFFF  }
0x98: {  	s19 =	sld [smem:$0x3FDB];
	_ =	sdelay $0x1  }
0x99: {  	s4 =	simm.s32 $_scs_section_size  }
0x9a: {  	s5 =	simm.s32 $_size__tile_overlayer_lowered;
	s6 =	simm.s32 $_tile_overlayer_lowered  }
0x9b: {  	s22 =	simm.s32 $0x1BFF;
	s21 =	sshll.u32 s6, $0x1;
	s3 =	sadd.s32 s4, s19  }
0x9c: {  	s7 =	simm.s32 $0x0;
	s20 =	sshll.u32 s5, $0x1;
	s5 =	sadd.s32 s21, s3  }
0x9d: {  	[timem:s7], [sflag:s22] =	dma.local [hbm:s5], s20  }
0x9e: {  	_ =	swait.ge [sflag:s22], s20  }
0x9f: {  	s4 =	ssub.s32 $0x0, s20;
	[sflag:s22] =	ssyncset.done $0x0  }
0xa0: {  	[sflag:s22] =	ssyncadd.s32 s4;
	_ =	sdelay $0x1  }
0xa1: {  	s23 =	simm.s32 $0x1B8B  }
0xa2: {  	_ =	swait.ge [sflag:s23], $0x1  }
0xa3: {  	[sflag:s23] =	ssyncset.done $0x0  }
0xa4: {  	s25 =	simm.s32 $0x1B8E;
	s24 =	sld [smem:$0x3FFE];
	[sflag:s23] =	ssyncadd.s32 $0xFFFFFFFF  }
0xa5: {  	s26 =	simm.s32 $execute0_lowered;
	[smem:$0x3FD2] =	sst s25  }
0xa6: {  	s5 =	sshll.u32 s26, $0x1;
	_ =	strace $0x80000046;
	[dreg:$0x1] =	wrdreg $0xFFFFFFFF  }
0xa7: {  	s28 =	simm.s32 $_size_execute0_lowered;
	s3 =	sadd.s32 s3, s5;
	[dreg:$0x0] =	wrdreg $0x0  }
0xa8: {  	s5 =	sshll.u32 s28, $0x1;
	[dreg:$0x2] =	wrdreg s3  }
0xa9: {  	[dreg:$0x3] =	wrdreg s5  }
0xaa: {  	[dreg:$0x4] =	wrdreg $0xC0  }
0xab: {  	_ =	task [dreg:s7], $0x5FFFF  }
0xac: {  	[dreg:$0x1] =	wrdreg $0xFFFFFFFF  }
0xad: {  	[dreg:$0x0] =	wrdreg $0x60  }
0xae: {  	[dreg:$0x2] =	wrdreg s2  }
0xaf: {  	[dreg:$0x3] =	wrdreg s24  }
0xb0: {  	[dreg:$0x4] =	wrdreg $0x9  }
0xb1: {  	_ =	task.clear_ibuf [dreg:s7], $0x5FFFF;
	_ =	strace $0x90000046  }
0xb2: {  	s29 =	simm.s32 $0x9;
	_ =	strace $0x80000048  }
0xb3: {  	_ =	swait.ge [sflag:s29], $0x1  }
0xb4: {  	[sflag:s29] =	ssyncadd.s32 $0xFFFFFFFF  }
0xb5: {  	_ =	strace $0x90000048  }
0xb6: {  	_ =	sfence  }
0xb7: {  	s30 =	sld [smem:$0x0];
	_ =	sdelay $0x2  }
0xb8: {  	s31 =	sshll.u32 s1, $0xD;
	s1 =	sshrl.u32 s1, $0x2  }
0xb9: {  	s3 =	sand.u32 $0x4000, s31;
	s1 =	sadd.s32 s1, s30  }
0xba: {  	s0 =	sor.u32 s3, s0;
	s1 =	sshll.u32 s1, $0x11  }
0xbb: {  	s0 =	sor.u32 s1, s0  }
0xbc: {  	s0 =	sadd.s32 $0x8F2B, s0  }
0xbd: {  	[sflag:s0] =	ssyncadd.remote.s32 $0x1  }
0xbe: {  	_ =	sfence.sel $0xFFFF  }
0xbf: {  	[dreg:$0x0] =	wrdreg $0xFFFFFFFF;
	(pc) =	sbr.abs _section_cstart, $3  }
0xc0: {  	[dreg:$0x1] =	wrdreg $0xFFFFFFFF  }
0xc1: {  	_ =	task.clear_ibuf [dreg:s7], $0x2FFFF;
	_ =	strace $0x9FFFFFFF  }
0xc2: {  	(tm) =	ssettm $0x7FFFFFFF  }
0xc3: {  	_ =	shalt  }
tec
execute0_lowered:
.L_overlay_start_1:
0x0: {  	(tag) =	ssettag $0x1  }
0x1: {  	s0 =	rddreg [dreg:$0x0]  }
0x2: {  	s1 =	rddreg [dreg:$0x1]  }
0x3: {  	s2 =	srdreg.scid;
	s3 =	stileid.u32  }
0x4: {  	s8 =	simm.s32 $0x0;
	s2 =	sand.u32 $0x1, s2;
	s3 =	sshll.u32 s3, $0x1  }
0x5: {  	[smem:$0x7FF] =	sst s8;
	s4 =	sadd.s32 $0x400, s1;
	s3 =	sor.u32 s2, s3  }
0x6: {  	_ =	strace $0x80000047;
	[dreg:$0x7] =	wrdreg s4;
	s4 =	smul.u32 $0x1900, s3  }
0x7: {  	s30 =	simm.s32 $0x90;
	s31 =	simm.s32 $0x91;
	s7 =	smul.u32 $0xC8000, s3  }
0x8: {  	s5 =	sadd.s32 $0xF43000, s1;
	s2 =	ssub.s32 $0x2, s2;
	s3 =	smul.u32 $0x19000, s3  }
0x9: {  	s6 =	sadd.s32 $0xC00, s1;
	[dreg:$0x5] =	wrdreg s30;
	s23 =	sshrl.u32 s2, $0x1  }
0xa: {  	[dreg:$0x6] =	wrdreg s31;
	s1 =	ssub.s32 s2, s23;
	s25 =	sadd.s32 s6, s3  }
0xb: {  	s24 =	sshrl.u32 s4, $0x3;
	s29 =	smax.u32 s1, $0x1;
	[dreg:$0x9] =	wrdreg s25  }
0xc: {  	s7 =	sshrl.u32 s7, $0x3;
	s0 =	sadd.s32 s0, s24;
	[dreg:$0xd] =	wrdreg s29  }
0xd: {  	s26 =	sadd.s32 s6, s7;
	s2 =	sadd.s32 $0x800, s25;
	[dreg:$0x8] =	wrdreg s0  }
0xe: {  	[dreg:$0xa] =	wrdreg s2;
	s28 =	sadd.s32 $0x18000, s26  }
0xf: {  	s0 =	sadd.s32 $0x18800, s26;
	[dreg:$0xb] =	wrdreg s28  }
0x10: {  	s20 =	simm.s32 $0x0;
	[dreg:$0xc] =	wrdreg s0  }
.LBB2_1:
0x11: {  	s0 =	rddreg [dreg:$0x8];
	s1 =	simm.s32 $0x5  }
0x12: {  	[tilespmem:s8], [sflag:$0x5] =	stream.linear.gather [hbm4b:s0+s8], $0x1900, $0x38;
	[tilespmem:$0x17D80] =	vst v63  }
0x13: {  	_ =	swait.ge [sflag:s1], $0x1900  }
0x14: {  	[sflag:s1] =	ssyncset.done $0x0  }
0x15: {  	s2 =	simm.s32 $0x4B80;
	s31 =	rddreg [dreg:$0x7];
	[sflag:s1] =	ssyncadd.s32 $0xFFFFE700  }
0x16: {  	[tilespmem:s2], [sflag:$0x5] =	stream.linear.gather [hbm4b:s31+s8], $0x3200, $0x38;
	[tilespmem:$0x17D80] =	vst v63  }
0x17: {  	_ =	swait.ge [sflag:s1], $0x3200  }
0x18: {  	[sflag:s1] =	ssyncset.done $0x0  }
0x19: {  	s3 =	simm.s32 $0x20;
	[sflag:s1] =	ssyncadd.s32 $0xFFFFCE00  }
0x1a: {  	v0 =	vld [tilespmem:s3+$0x0];
	_ =	sdelay $0x3  }
0x1b: {  	v4 =	vld [tilespmem:s3+$0x10]  }
0x1c: {  	s0 =	simm.s32 $0x1920;
	v2 =	vld [tilespmem:s3+$0xFFFFFFF0];
	v1 =	vshrl.u32 v0, $0x1;
	v0 =	vshll.u32 v0, $0x6  }
0x1d: {  	[tilespmem:s0+$0x0] =	vst v1;
	v1 =	vand.u32 $0x40, v0;
	v0 =	vld [tilespmem:s3+$0xFFFFFFE0];
	_ =	sdelay $0x2  }
0x1e: {  	s7 =	simm.s32 $0x60;
	s2 =	simm.s32 $0x0;
	v5 =	vshrl.u32 v4, $0x1  }
0x1f: {  	s8 =	simm.s32 $0x1920;
	s1 =	simm.s32 $0x3220;
	v3 =	vshrl.u32 v2, $0x1;
	v2 =	vshll.u32 v2, $0x6;
	v4 =	vshll.u32 v4, $0x6;
	[tilespmem:s0+$0x10] =	vst v5;
	s3 =	simm.s32 $0x3220  }
.LBB2_2:
0x20: {  	v5 =	vld [tilespmem:s7+$0x0];
	s2 =	sadd.s32 $0x4, s2;
	v6 =	vshrl.u32 v0, $0x1;
	[tilespmem:s0+$0xFFFFFFF0] =	vst v3;
	v2 =	vand.u32 $0x40, v2;
	v3 =	vand.u32 $0x40, v4;
	s1 =	sadd.s32 $0x40, s1;
	s8 =	sadd.s32 $0x40, s8  }
0x21: {  	v4 =	vld [tilespmem:s7+$0x10];
	p0 =	slt.u32 s2, $0x18C;
	[tilespmem:s0+$0xFFFFFFE0] =	vst v6;
	s0 =	smov.u32 s8  }
0x22: {  	v7 =	vshll.u32 v0, $0x6;
	v6 =	vld [tilespmem:s7+$0xFFFFFFF0];
	[tilespmem:s3+$0x0] =	vst v1  }
.Ltmp0:
0x23: {  	v1 =	vand.u32 $0x40, v7;
	v0 =	vld [tilespmem:s7+$0xFFFFFFE0];
	[tilespmem:s3+$0x10] =	vst v3;
	(pc) =	sbr.rel @p0 .LBB2_2-.Ltmp0, $4  }
0x24: {  	[tilespmem:s3+$0xFFFFFFE0] =	vst v1  }
0x25: {  	v1 =	vshrl.u32 v5, $0x1;
	v3 =	vshll.u32 v5, $0x6;
	[tilespmem:s3+$0xFFFFFFF0] =	vst v2;
	s3 =	smov.u32 s1  }
0x26: {  	[tilespmem:s8+$0x0] =	vst v1;
	v1 =	vand.u32 $0x40, v3;
	v5 =	vshrl.u32 v4, $0x1  }
0x27: {  	s7 =	sadd.s32 $0x40, s7;
	v4 =	vshll.u32 v4, $0x6;
	v3 =	vshrl.u32 v6, $0x1;
	v2 =	vshll.u32 v6, $0x6;
	[tilespmem:s8+$0x10] =	vst v5  }
0x28: {  	[tilespmem:s0+$0xFFFFFFF0] =	vst v3  }
0x29: {  	v5 =	vshrl.u32 v0, $0x1;
	[tilespmem:s3+$0x0] =	vst v1  }
0x2a: {  	v3 =	vand.u32 $0x40, v4;
	[tilespmem:s0+$0xFFFFFFE0] =	vst v5  }
0x2b: {  	v0 =	vshll.u32 v0, $0x6;
	v1 =	vand.u32 $0x40, v2;
	[tilespmem:s3+$0x10] =	vst v3  }
0x2c: {  	v0 =	vand.u32 $0x40, v0;
	[tilespmem:s3+$0xFFFFFFF0] =	vst v1  }
0x2d: {  	s25 =	simm.s32 $0x80;
	s1 =	simm.s32 $0x1900;
	s2 =	simm.s32 $0x7D80;
	[tilespmem:s3+$0xFFFFFFE0] =	vst v0  }
0x2e: {  	[tilespmem:s2], [sflag:$0x1] =	stream.indirect.gather [hbm4b:s5+s25], $0x80, s1, s25, $0xb8;
	[tilespmem:$0x17D80] =	vst v63  }
0x2f: {  	s26 =	simm.s32 $0x1980;
	s28 =	simm.s32 $0xBD80;
	s29 =	simm.s32 $0x1  }
0x30: {  	[tilespmem:s28], [sflag:$0x2] =	stream.indirect.gather [hbm4b:s5+s25], $0x80, s26, s25, $0xb8;
	[tilespmem:$0x17D80] =	vst v63  }
0x31: {  	_ =	swait.ge [sflag:s29], $0x4000  }
0x32: {  	[sflag:s29] =	ssyncset.done $0x0  }
0x33: {  	s30 =	simm.s32 $0x3201;
	[sflag:s29] =	ssyncadd.s32 $0xFFFFC000  }
0x34: {  	v0 =	vld [tilespmem:s30+$0xFFFFFFFF]  }
0x35: {  	v1 =	vld [tilespmem:s30+$0x0];
	_ =	sdelay $0x3  }
0x36: {  	(v2sf) =	vpush v0, $0x0  }
0x37: {  	(v2sf) =	vpush v1, $0x0;
	_ =	sdelay $0xd  }
0x38: {  	s7 =	spop (v2sf)  }
0x39: {  	s31 =	simm.s32 $0x3203;
	s2 =	spop (v2sf)  }
0x3a: {  	v0 =	vld [tilespmem:s31+$0xFFFFFFFF];
	s10 =	sand.u32 $0x7F, s2;
	s11 =	sshll.u32 s2, $0x2  }
0x3b: {  	s8 =	sand.u32 $0xFFFFFE00, s11;
	s1 =	sshll.u32 s10, $0x2  }
0x3c: {  	s3 =	simm.s32 $0x4BA0;
	s1 =	sor.u32 s1, s8  }
0x3d: {  	v2 =	vld [tilespmem:s31+$0x0];
	s12 =	sand.u32 $0x7F, s7;
	s9 =	sshll.u32 s7, $0x2;
	s1 =	sshra.s32 s1, $0x2  }
0x3e: {  	v1 =	vld [tilespmem:s3+$0x20];
	s9 =	sand.u32 $0xFFFFFE00, s9;
	s8 =	sshll.u32 s12, $0x2;
	s13 =	sadd.s32 $0x0, s1  }
0x3f: {  	(v2sf) =	vpush v0, $0x0;
	s8 =	sor.u32 s8, s9;
	v0 =	vld [tilespmem:s13+$0x7E00]  }
0x40: {  	s0 =	simm.s32 $0x0;
	s14 =	sadd.s32 $0x10, s7;
	s8 =	sshra.s32 s8, $0x2  }
0x41: {  	v3 =	vld [tilespmem:s3+$0xFFFFFFE0];
	s16 =	sadd.s32 $0x20, s7;
	s10 =	sadd.s32 $0x10, s2;
	s8 =	sadd.s32 $0x0, s8  }
0x42: {  	s7 =	sadd.s32 $0x30, s7;
	s15 =	sand.u32 $0x7F, s10;
	s10 =	sshll.u32 s10, $0x2;
	v63 =	vld [tilespmem:s8+$0x7D80]  }
0x43: {  	(v2sf) =	vpush v2, $0x0;
	s17 =	sand.u32 $0x7F, s16;
	s10 =	sand.u32 $0xFFFFFE00, s10;
	s8 =	sshll.u32 s15, $0x2  }
0x44: {  	s22 =	sand.u32 $0x7F, s7;
	s11 =	sand.u32 $0x7F, s14;
	s8 =	sor.u32 s8, s10;
	v0 =	vadd.f32 v1, v0  }
0x45: {  	s11 =	sshll.u32 s11, $0x2;
	s9 =	sshll.u32 s14, $0x2;
	s8 =	sshra.s32 s8, $0x2  }
0x46: {  	s1 =	simm.s32 $0x40;
	s9 =	sand.u32 $0xFFFFFE00, s9;
	s8 =	sadd.s32 $0x0, s8;
	[tilespmem:s0+$0xFE00] =	vst v0  }
0x47: {  	s7 =	sshll.u32 s7, $0x2;
	s9 =	sor.u32 s11, s9;
	s18 =	sor.u32 $0x50, s1;
	v0 =	vadd.f32 v3, v63;
	v1 =	vld [tilespmem:s8+$0x7E00]  }
0x48: {  	s24 =	sadd.s32 $0x20, s2;
	s7 =	sand.u32 $0xFFFFFE00, s7;
	s9 =	sshra.s32 s9, $0x2;
	v2 =	vld [tilespmem:s18+$0x4B80]  }
0x49: {  	s25 =	sand.u32 $0x7F, s24;
	s2 =	sadd.s32 $0x30, s2;
	s19 =	sadd.s32 $0x0, s9;
	[tilespmem:s0+$0xFD80] =	vst v0  }
0x4a: {  	s12 =	simm.s32 $0x2;
	s11 =	sshll.u32 s17, $0x2;
	s10 =	sshll.u32 s16, $0x2;
	v0 =	vld [tilespmem:s19+$0x7D80]  }
0x4b: {  	s31 =	sor.u32 $0x60, s1;
	s9 =	sshll.u32 s24, $0x2;
	s10 =	sand.u32 $0xFFFFFE00, s10;
	v3 =	vld [tilespmem:s3+$0xFFFFFFF0]  }
0x4c: {  	s9 =	sand.u32 $0xFFFFFE00, s9;
	s21 =	sor.u32 s11, s10;
	s11 =	sshll.u32 s25, $0x2  }
0x4d: {  	s13 =	simm.s32 $0x3205;
	s10 =	sshll.u32 s22, $0x2;
	s26 =	sor.u32 s11, s9;
	v1 =	vadd.f32 v2, v1  }
0x4e: {  	s23 =	sshra.s32 s21, $0x2;
	s7 =	sor.u32 s10, s7;
	s28 =	sshra.s32 s26, $0x2  }
0x4f: {  	s9 =	sshra.s32 s7, $0x2;
	s7 =	sadd.s32 $0x0, s28;
	s10 =	spop (v2sf);
	[tilespmem:s0+$0xFE10] =	vst v1  }
0x50: {  	s14 =	sadd.s32 $0x0, s23;
	s29 =	sand.u32 $0x7F, s10;
	s30 =	sshll.u32 s10, $0x2;
	v3 =	vadd.f32 v3, v0;
	v0 =	vld [tilespmem:s7+$0x7E00]  }
0x51: {  	s11 =	sand.u32 $0xFFFFFE00, s30;
	s8 =	sshll.u32 s29, $0x2;
	v2 =	vld [tilespmem:s31+$0x4B80];
	s7 =	simm.s32 $0x4C20  }
0x52: {  	s15 =	sor.u32 s8, s11;
	s8 =	simm.s32 $0x400;
	s11 =	spop (v2sf);
	v1 =	vld [tilespmem:s7+$0xFFFFFFE0];
	[tilespmem:s0+$0xFD90] =	vst v3  }
.LBB2_4:
0x53: {  	s17 =	sand.u32 $0x7F, s11;
	s18 =	sshll.u32 s11, $0x2  }
0x54: {  	v3 =	vld [tilespmem:s13+$0xFFFFFFFF];
	s19 =	sand.u32 $0x7F, s2;
	s16 =	smov.u32 s0;
	s2 =	sshll.u32 s2, $0x2  }
0x55: {  	s15 =	sshra.s32 s15, $0x2;
	s0 =	sand.u32 $0xFFFFFE00, s18;
	s17 =	sshll.u32 s17, $0x2;
	v4 =	vld [tilespmem:s14+$0x7D80]  }
0x56: {  	s2 =	sand.u32 $0xFFFFFE00, s2;
	s14 =	sor.u32 s17, s0;
	v5 =	vld [tilespmem:s3+$0x0];
	s17 =	sshll.u32 s19, $0x2  }
0x57: {  	s0 =	sshra.s32 s8, $0x2;
	s14 =	sshra.s32 s14, $0x2;
	v6 =	vld [tilespmem:s7+$0x20];
	v0 =	vadd.f32 v2, v0;
	s2 =	sor.u32 s17, s2  }
0x58: {  	s12 =	sadd.s32 $0x2, s12;
	v2 =	vld [tilespmem:s13+$0x0];
	s14 =	sadd.s32 s0, s14;
	s2 =	sshra.s32 s2, $0x2  }
0x59: {  	s15 =	sadd.s32 s0, s15;
	s17 =	sadd.s32 $0x10, s10;
	(v2sf) =	vpush v3, $0x0;
	v3 =	vld [tilespmem:s14+$0x7E00];
	[tilespmem:s16+$0xFE20] =	vst v0;
	s2 =	sadd.s32 s16, s2  }
0x5a: {  	s14 =	sand.u32 $0x7F, s17;
	s17 =	sshll.u32 s17, $0x2;
	v0 =	vld [tilespmem:s2+$0x7E00];
	s2 =	sor.u32 $0x70, s1  }
0x5b: {  	s18 =	sadd.s32 $0x10, s11;
	p0 =	slt.u32 s12, $0x7E;
	s17 =	sand.u32 $0xFFFFFE00, s17;
	v4 =	vadd.f32 v5, v4;
	v5 =	vld [tilespmem:s2+$0x4B80]  }
0x5c: {  	s14 =	sshll.u32 s14, $0x2;
	s2 =	sand.u32 $0x7F, s18;
	v7 =	vld [tilespmem:s15+$0x7D80];
	s15 =	sshll.u32 s18, $0x2  }
0x5d: {  	s1 =	sadd.s32 $0x80, s1;
	s2 =	sshll.u32 s2, $0x2;
	(v2sf) =	vpush v2, $0x0;
	s15 =	sand.u32 $0xFFFFFE00, s15;
	[tilespmem:s16+$0xFDA0] =	vst v4  }
0x5e: {  	s14 =	sor.u32 s14, s17;
	s17 =	sadd.s32 $0x20, s10;
	v2 =	vadd.f32 v6, v3;
	s2 =	sor.u32 s2, s15;
	v3 =	vld [tilespmem:s3+$0x10]  }
0x5f: {  	s3 =	sshra.s32 s14, $0x2;
	s14 =	sand.u32 $0x7F, s17;
	s2 =	sshra.s32 s2, $0x2  }
0x60: {  	s15 =	sshll.u32 s17, $0x2;
	s3 =	sadd.s32 s0, s3;
	[tilespmem:s0+$0xFE00] =	vst v2;
	s2 =	sadd.s32 s0, s2;
	v0 =	vadd.f32 v5, v0  }
0x61: {  	s14 =	sshll.u32 s14, $0x2;
	s15 =	sand.u32 $0xFFFFFE00, s15;
	v1 =	vadd.f32 v1, v7;
	v2 =	vld [tilespmem:s2+$0x7E00];
	s2 =	sor.u32 $0x50, s1  }
0x62: {  	s10 =	sadd.s32 $0x30, s10;
	v4 =	vld [tilespmem:s2+$0x4B80];
	s2 =	sadd.s32 s16, s9;
	[tilespmem:s16+$0xFE30] =	vst v0;
	s9 =	sor.u32 s14, s15  }
0x63: {  	s15 =	sand.u32 $0x7F, s10;
	s10 =	sshll.u32 s10, $0x2;
	[tilespmem:s0+$0xFD80] =	vst v1;
	v0 =	vld [tilespmem:s2+$0x7D80];
	s2 =	sshra.s32 s9, $0x2  }
0x64: {  	s9 =	sadd.s32 $0x20, s11;
	v1 =	vld [tilespmem:s3+$0x7D80];
	s3 =	sand.u32 $0xFFFFFE00, s10;
	s14 =	sadd.s32 s0, s2  }
0x65: {  	s2 =	sand.u32 $0x7F, s9;
	s9 =	sshll.u32 s9, $0x2;
	s10 =	sshll.u32 s15, $0x2;
	v5 =	vld [tilespmem:s7+$0xFFFFFFF0]  }
0x66: {  	s9 =	sand.u32 $0xFFFFFE00, s9;
	s2 =	sshll.u32 s2, $0x2;
	s15 =	sor.u32 s10, s3  }
0x67: {  	s3 =	smov.u32 s7;
	s2 =	sor.u32 s2, s9;
	s9 =	sshra.s32 s15, $0x2;
	v2 =	vadd.f32 v4, v2  }
.Ltmp1:
0x68: {  	s2 =	sshra.s32 s2, $0x2;
	s10 =	spop (v2sf);
	v3 =	vadd.f32 v3, v0;
	(pc) =	sbr.rel @p0 .LBB2_4-.Ltmp1, $4  }
0x69: {  	s2 =	sadd.s32 s0, s2;
	s15 =	sand.u32 $0x7F, s10;
	s17 =	sshll.u32 s10, $0x2;
	[tilespmem:s0+$0xFE10] =	vst v2  }
0x6a: {  	s17 =	sand.u32 $0xFFFFFE00, s17;
	s15 =	sshll.u32 s15, $0x2;
	v4 =	vadd.f32 v5, v1;
	v0 =	vld [tilespmem:s2+$0x7E00];
	s2 =	sor.u32 $0x60, s1;
	[tilespmem:s16+$0xFDB0] =	vst v3  }
0x6b: {  	s8 =	sadd.s32 $0x400, s8;
	s7 =	sadd.s32 $0x80, s7;
	s15 =	sor.u32 s15, s17;
	v2 =	vld [tilespmem:s2+$0x4B80]  }
0x6c: {  	s13 =	sadd.s32 $0x2, s13;
	s2 =	sadd.s32 $0x30, s11;
	v1 =	vld [tilespmem:s7+$0xFFFFFFE0];
	[tilespmem:s0+$0xFD90] =	vst v4;
	s11 =	spop (v2sf)  }
0x6d: {  	s12 =	sand.u32 $0x7F, s11;
	s13 =	sshll.u32 s11, $0x2  }
0x6e: {  	s13 =	sand.u32 $0xFFFFFE00, s13;
	s12 =	sshll.u32 s12, $0x2  }
0x6f: {  	s12 =	sor.u32 s12, s13  }
0x70: {  	s8 =	sshra.s32 s8, $0x2;
	s12 =	sshra.s32 s12, $0x2  }
0x71: {  	v3 =	vld [tilespmem:s7+$0x20];
	s12 =	sadd.s32 s8, s12  }
0x72: {  	s22 =	sshra.s32 s15, $0x2;
	v4 =	vld [tilespmem:s12+$0x7E00]  }
0x73: {  	s23 =	sadd.s32 s8, s22  }
0x74: {  	s24 =	sadd.s32 $0x10, s11;
	v5 =	vld [tilespmem:s23+$0x7D80]  }
0x75: {  	s25 =	sand.u32 $0x7F, s24;
	s13 =	sshll.u32 s24, $0x2  }
0x76: {  	s26 =	sadd.s32 $0x10, s10;
	s13 =	sand.u32 $0xFFFFFE00, s13;
	s12 =	sshll.u32 s25, $0x2  }
0x77: {  	s16 =	sand.u32 $0x7F, s26;
	s15 =	sshll.u32 s26, $0x2;
	s12 =	sor.u32 s12, s13;
	v3 =	vadd.f32 v3, v4  }
0x78: {  	s28 =	sand.u32 $0xFFFFFE00, s15;
	s29 =	sshll.u32 s16, $0x2;
	s12 =	sshra.s32 s12, $0x2  }
0x79: {  	s13 =	sor.u32 s29, s28;
	v1 =	vadd.f32 v1, v5;
	s31 =	sadd.s32 s8, s12;
	s12 =	sadd.s32 $0x80, s1;
	[tilespmem:s8+$0xFE00] =	vst v3  }
0x7a: {  	s13 =	sshra.s32 s13, $0x2;
	s16 =	sor.u32 $0x50, s12;
	v3 =	vld [tilespmem:s31+$0x7E00]  }
0x7b: {  	s13 =	sadd.s32 s8, s13;
	[tilespmem:s8+$0xFD80] =	vst v1;
	v4 =	vld [tilespmem:s16+$0x4B80]  }
0x7c: {  	v1 =	vld [tilespmem:s13+$0x7D80]  }
0x7d: {  	s17 =	sadd.s32 $0x20, s11;
	v5 =	vld [tilespmem:s7+$0xFFFFFFF0]  }
0x7e: {  	s18 =	sand.u32 $0x7F, s17;
	s13 =	sshll.u32 s17, $0x2  }
0x7f: {  	s19 =	sadd.s32 $0x20, s10;
	s15 =	sshll.u32 s18, $0x2;
	s13 =	sand.u32 $0xFFFFFE00, s13  }
0x80: {  	s21 =	sand.u32 $0x7F, s19;
	s13 =	sor.u32 s15, s13;
	v3 =	vadd.f32 v4, v3  }
0x81: {  	v6 =	vld [tilespmem:s3+$0x0];
	s22 =	sshll.u32 s21, $0x2;
	s16 =	sshll.u32 s19, $0x2;
	s13 =	sshra.s32 s13, $0x2  }
0x82: {  	s24 =	sand.u32 $0x7F, s2;
	s23 =	sand.u32 $0xFFFFFE00, s16;
	s13 =	sadd.s32 s8, s13;
	v1 =	vadd.f32 v5, v1;
	v4 =	vld [tilespmem:s14+$0x7D80];
	[tilespmem:s8+$0xFE10] =	vst v3  }
0x83: {  	s25 =	sshll.u32 s2, $0x2;
	s26 =	sor.u32 $0x60, s12;
	s14 =	sor.u32 s22, s23;
	v3 =	vld [tilespmem:s13+$0x7E00]  }
0x84: {  	s2 =	sand.u32 $0xFFFFFE00, s25;
	s28 =	sshll.u32 s24, $0x2;
	[tilespmem:s8+$0xFD90] =	vst v1;
	s14 =	sshra.s32 s14, $0x2;
	v5 =	vld [tilespmem:s26+$0x4B80]  }
0x85: {  	v0 =	vadd.f32 v2, v0;
	s2 =	sor.u32 s28, s2;
	v2 =	vld [tilespmem:s7+$0x0];
	s14 =	sadd.s32 s8, s14  }
0x86: {  	s29 =	sadd.s32 $0x30, s11;
	s2 =	sshra.s32 s2, $0x2;
	v1 =	vld [tilespmem:s14+$0x7D80]  }
0x87: {  	[tilespmem:s0+$0xFE20] =	vst v0;
	s11 =	sshll.u32 s29, $0x2;
	s2 =	sadd.s32 s0, s2;
	s31 =	sand.u32 $0x7F, s29;
	v0 =	vadd.f32 v6, v4  }
0x88: {  	s15 =	sshll.u32 s31, $0x2;
	s14 =	sand.u32 $0xFFFFFE00, s11;
	v4 =	vld [tilespmem:s2+$0x7E00];
	s2 =	sor.u32 $0x70, s1  }
0x89: {  	s9 =	sadd.s32 s0, s9;
	s16 =	sadd.s32 $0x30, s10;
	v6 =	vld [tilespmem:s2+$0x4B80];
	s2 =	sor.u32 s15, s14;
	[tilespmem:s0+$0xFDA0] =	vst v0;
	v0 =	vadd.f32 v5, v3  }
0x8a: {  	s17 =	sand.u32 $0x7F, s16;
	s1 =	sshll.u32 s16, $0x2;
	s2 =	sshra.s32 s2, $0x2;
	v3 =	vld [tilespmem:s3+$0x10]  }
0x8b: {  	s1 =	sand.u32 $0xFFFFFE00, s1;
	v5 =	vld [tilespmem:s9+$0x7D80];
	s3 =	sshll.u32 s17, $0x2;
	s2 =	sadd.s32 s8, s2;
	[tilespmem:s8+$0xFE20] =	vst v0;
	v0 =	vadd.f32 v2, v1  }
0x8c: {  	s18 =	sor.u32 $0x70, s12;
	s1 =	sor.u32 s3, s1;
	v1 =	vld [tilespmem:s2+$0x7E00]  }
0x8d: {  	s1 =	sshra.s32 s1, $0x2;
	v2 =	vld [tilespmem:s18+$0x4B80];
	[tilespmem:s8+$0xFDA0] =	vst v0  }
0x8e: {  	s1 =	sadd.s32 s8, s1;
	v0 =	vld [tilespmem:s7+$0x10]  }
0x8f: {  	v7 =	vld [tilespmem:s1+$0x7D80];
	_ =	sdelay $0x1  }
0x90: {  	v4 =	vadd.f32 v6, v4  }
0x91: {  	v3 =	vadd.f32 v3, v5  }
0x92: {  	[tilespmem:s0+$0xFE30] =	vst v4;
	v1 =	vadd.f32 v2, v1  }
0x93: {  	[tilespmem:s0+$0xFDB0] =	vst v3;
	v0 =	vadd.f32 v0, v7  }
0x94: {  	[tilespmem:s8+$0xFE30] =	vst v1  }
0x95: {  	s30 =	simm.s32 $0x0;
	[tilespmem:s8+$0xFDB0] =	vst v0  }
0x96: {  	s21 =	simm.s32 $0x80;
	s19 =	simm.s32 $0xFD80;
	s0 =	rddreg [dreg:$0x9]  }
0x97: {  	[hbm4b:s0+s30] =	stream.linear.scatter [tilespmem:s19], [sflag:$0x3], $0x4000, $0x38;
	[tilespmem:$0x17D80] =	vst v63  }
0x98: {  	s24 =	simm.s32 $0x2;
	s22 =	simm.s32 $0x7D80;
	s23 =	simm.s32 $0x1A00  }
0x99: {  	[tilespmem:s22], [sflag:$0x1] =	stream.indirect.gather [hbm4b:s5+s21], $0x80, s23, s21, $0xb8;
	[tilespmem:$0x17D80] =	vst v63  }
0x9a: {  	_ =	swait.ge [sflag:s24], $0x4000  }
0x9b: {  	[sflag:s24] =	ssyncset.done $0x0  }
0x9c: {  	s25 =	simm.s32 $0x3281;
	[sflag:s24] =	ssyncadd.s32 $0xFFFFC000  }
0x9d: {  	v0 =	vld [tilespmem:s25+$0x0];
	_ =	sdelay $0x2  }
0x9e: {  	v1 =	vld [tilespmem:s25+$0xFFFFFFFF];
	_ =	sdelay $0x1  }
0x9f: {  	(v2sf) =	vpush v0, $0x0;
	_ =	sdelay $0x2  }
0xa0: {  	(v2sf) =	vpush v1, $0x0;
	_ =	sdelay $0x7  }
0xa1: {  	p0 =	por $0x1, $0x1;
	s1 =	simm.s32 $0xFFFFFFB8;
	s0 =	simm.s32 $0x80  }
0xa2: {  	s1 =	smov.u32 @p0 s0  }
0xa3: {  	p1 =	por $0x1, $0x1;
	s2 =	simm.s32 $0xFFFFFFB9;
	s0 =	sshll.u32 s1, $0x8  }
0xa4: {  	p0 =	por $0x1, $0x1;
	s1 =	simm.s32 $0x81;
	s16 =	sshra.s32 s0, $0x2  }
0xa5: {  	s2 =	smov.u32 @p0 s1;
	s1 =	simm.s32 $0x0;
	s14 =	spop (v2sf)  }
0xa6: {  	p0 =	por $0x0, $0x0;
	s26 =	sand.u32 $0x7F, s14;
	s28 =	sshll.u32 s14, $0x2  }
0xa7: {  	s0 =	sshll.u32 s2, $0x6;
	s7 =	sand.u32 $0xFFFFFE00, s28;
	s3 =	sshll.u32 s26, $0x2  }
.Ltmp2:
0xa8: {  	s3 =	sor.u32 s3, s7;
	s7 =	spop (v2sf);
	(pc) =	sbr.rel @!p1 .LBB2_6-.Ltmp2, $4  }
0xa9: {  	s13 =	sadd.s32 $0x10, s14;
	s3 =	sshra.s32 s3, $0x2;
	s31 =	sshll.u32 s7, $0x2  }
0xaa: {  	v4 =	vld [tilespmem:s0+$0x4B80];
	s29 =	sand.u32 $0x7F, s7;
	s2 =	sadd.s32 $0x10, s7;
	s9 =	sand.u32 $0xFFFFFE00, s31  }
0xab: {  	v0 =	vld [tilespmem:s16+$0x4B80];
	s8 =	sshll.u32 s29, $0x2;
	s3 =	sadd.s32 $0x0, s3;
	s12 =	sand.u32 $0x7F, s2  }
0xac: {  	s15 =	sor.u32 s8, s9;
	v5 =	vld [tilespmem:s3+$0xBE00];
	s8 =	simm.s32 $0x3283;
	[dreg:$0xe] =	wrdreg s20  }
0xad: {  	_ =	sdelay $0x1  }
0xae: {  	v1 =	vld [tilespmem:s8+$0x0];
	s3 =	sshra.s32 s15, $0x2;
	s9 =	sand.u32 $0x7F, s13;
	s10 =	sshll.u32 s13, $0x2  }
0xaf: {  	s3 =	sadd.s32 $0x0, s3;
	s10 =	sand.u32 $0xFFFFFE00, s10;
	s9 =	sshll.u32 s9, $0x2  }
0xb0: {  	v2 =	vld [tilespmem:s3+$0xBD80];
	s9 =	sor.u32 s9, s10;
	v3 =	vadd.f32 v4, v5  }
0xb1: {  	s2 =	sshll.u32 s2, $0x2;
	p0 =	por $0x1, $0x1;
	s9 =	sshra.s32 s9, $0x2  }
0xb2: {  	p1 =	por $0x1, $0x1;
	s24 =	sor.u32 $0x50, s0;
	v4 =	vld [tilespmem:s8+$0xFFFFFFFF];
	s9 =	sadd.s32 $0x0, s9;
	[tilespmem:s1+$0x13E00] =	vst v3  }
0xb3: {  	s11 =	sshll.u32 s12, $0x2;
	s25 =	sadd.s32 $0x20, s7;
	s28 =	sadd.s32 $0x20, s14;
	(v2sf) =	vpush v1, $0x0;
	v1 =	vld [tilespmem:s9+$0xBE00]  }
0xb4: {  	s15 =	sadd.s32 $0x30, s7;
	s18 =	sor.u32 $0x60, s0;
	s2 =	sand.u32 $0xFFFFFE00, s2;
	v3 =	vld [tilespmem:s24+$0x4B80]  }
0xb5: {  	s10 =	simm.s32 $0xFFFFFFBA;
	s2 =	sor.u32 s11, s2;
	s8 =	simm.s32 $0x82;
	v0 =	vadd.f32 v0, v2  }
0xb6: {  	s31 =	sshll.u32 s28, $0x2;
	s2 =	sshra.s32 s2, $0x2;
	s10 =	smov.u32 @p0 s8  }
0xb7: {  	s2 =	sadd.s32 $0x0, s2;
	s26 =	sshll.u32 s10, $0x8;
	s10 =	sand.u32 $0x7F, s28;
	[tilespmem:s1+$0x13D80] =	vst v0  }
0xb8: {  	s12 =	sand.u32 $0xFFFFFE00, s31;
	s8 =	sshll.u32 s25, $0x2;
	s13 =	sshll.u32 s10, $0x2;
	(v2sf) =	vpush v4, $0x0;
	v0 =	vld [tilespmem:s2+$0xBD80]  }
0xb9: {  	s19 =	sadd.s32 $0x30, s14;
	v2 =	vld [tilespmem:s16+$0x4B90];
	s2 =	sand.u32 $0xFFFFFE00, s8;
	s8 =	sor.u32 s13, s12;
	v1 =	vadd.f32 v3, v1  }
0xba: {  	s29 =	sand.u32 $0x7F, s25;
	s17 =	sand.u32 $0x7F, s15;
	s8 =	sshra.s32 s8, $0x2  }
0xbb: {  	s7 =	sshll.u32 s15, $0x2;
	s21 =	sand.u32 $0x7F, s19;
	s8 =	sadd.s32 $0x0, s8;
	[tilespmem:s1+$0x13E10] =	vst v1  }
0xbc: {  	s3 =	simm.s32 $0xFFFFFFBB;
	s11 =	sshll.u32 s29, $0x2;
	s7 =	sand.u32 $0xFFFFFE00, s7;
	v1 =	vld [tilespmem:s8+$0xBE00]  }
0xbd: {  	s22 =	sshll.u32 s21, $0x2;
	p0 =	por $0x1, $0x1;
	s25 =	sor.u32 $0x70, s0;
	v3 =	vld [tilespmem:s18+$0x4B80]  }
0xbe: {  	s10 =	sshra.s32 s26, $0x2;
	s9 =	sshll.u32 s17, $0x2;
	s2 =	sor.u32 s11, s2;
	v0 =	vadd.f32 v2, v0  }
0xbf: {  	s7 =	sor.u32 s9, s7;
	s9 =	simm.s32 $0x83;
	s2 =	sshra.s32 s2, $0x2  }
0xc0: {  	s20 =	sshra.s32 s7, $0x2;
	s2 =	sadd.s32 $0x0, s2;
	s8 =	sshll.u32 s19, $0x2;
	[tilespmem:s1+$0x13D90] =	vst v0  }
0xc1: {  	s13 =	simm.s32 $0xFFFFFFBB;
	s17 =	sadd.s32 $0x0, s20;
	s8 =	sand.u32 $0xFFFFFE00, s8;
	v2 =	vld [tilespmem:s2+$0xBD80]  }
0xc2: {  	s11 =	simm.s32 $0x400;
	v4 =	vld [tilespmem:s16+$0x4BA0];
	s2 =	sor.u32 s22, s8;
	s14 =	spop (v2sf);
	v1 =	vadd.f32 v3, v1  }
0xc3: {  	s2 =	sshra.s32 s2, $0x2;
	s23 =	sand.u32 $0x7F, s14;
	s24 =	sshll.u32 s14, $0x2  }
0xc4: {  	s2 =	sadd.s32 $0x0, s2;
	s8 =	sand.u32 $0xFFFFFE00, s24;
	s7 =	sshll.u32 s23, $0x2;
	[tilespmem:s1+$0x13E20] =	vst v1  }
0xc5: {  	s13 =	smov.u32 @p0 s9;
	s9 =	simm.s32 $0x100;
	s7 =	sor.u32 s7, s8;
	v1 =	vld [tilespmem:s2+$0xBE00]  }
.Ltmp3:
0xc6: {  	s0 =	sshll.u32 s13, $0x6;
	v3 =	vld [tilespmem:s25+$0x4B80];
	s26 =	sshra.s32 s7, $0x2;
	(pc) =	sbr.rel @!p1 .LBB2_8-.Ltmp3, $4  }
0xc7: {  	p0 =	por $0x1, $0x1;
	v2 =	vadd.f32 v4, v2;
	v4 =	vld [tilespmem:s0+$0x4B80];
	s7 =	spop (v2sf);
	s28 =	sadd.s32 $0x100, s26  }
0xc8: {  	s8 =	simm.s32 $0x3285;
	s29 =	sand.u32 $0x7F, s7;
	s31 =	sshll.u32 s7, $0x2;
	v5 =	vld [tilespmem:s28+$0xBE00]  }
0xc9: {  	v0 =	vld [tilespmem:s10+$0x4B80];
	s2 =	sadd.s32 $0x10, s7;
	[tilespmem:s1+$0x13DA0] =	vst v2;
	s15 =	sand.u32 $0xFFFFFE00, s31;
	s13 =	sshll.u32 s29, $0x2  }
0xca: {  	s12 =	sand.u32 $0x7F, s2;
	v2 =	vld [tilespmem:s17+$0xBD80];
	s15 =	sor.u32 s13, s15;
	s13 =	sadd.s32 $0x10, s14  }
.LBB2_9:
0xcb: {  	v6 =	vld [tilespmem:s8+$0x0];
	s15 =	sshra.s32 s15, $0x2;
	s17 =	sand.u32 $0x7F, s13;
	s13 =	sshll.u32 s13, $0x2;
	v1 =	vadd.f32 v3, v1  }
0xcc: {  	v3 =	vld [tilespmem:s8+$0xFFFFFFFF];
	s15 =	sadd.s32 s9, s15;
	s13 =	sand.u32 $0xFFFFFE00, s13;
	s17 =	sshll.u32 s17, $0x2  }
0xcd: {  	s2 =	sshll.u32 s2, $0x2;
	s3 =	sadd.s32 $0x2, s3;
	v7 =	vld [tilespmem:s15+$0xBD80];
	v4 =	vadd.f32 v4, v5;
	s13 =	sor.u32 s17, s13;
	[tilespmem:s1+$0x13E30] =	vst v1  }
0xce: {  	s15 =	sadd.s32 $0xC7, s3;
	s17 =	sadd.s32 $0x47, s3;
	s13 =	sshra.s32 s13, $0x2;
	v1 =	vld [tilespmem:s16+$0x4BB0]  }
0xcf: {  	p2 =	slt.u32 s15, $0xC8;
	p1 =	slt.u32 s17, $0x7E;
	[tilespmem:s9+$0x13E00] =	vst v4;
	s13 =	sadd.s32 s9, s13  }
0xd0: {  	s2 =	sand.u32 $0xFFFFFE00, s2;
	s16 =	sadd.s32 $0xFFFFFFFF, s3;
	(v2sf) =	vpush v6, $0x0;
	v4 =	vld [tilespmem:s13+$0xBE00];
	s13 =	sor.u32 $0x50, s0  }
0xd1: {  	s12 =	sshll.u32 s12, $0x2;
	s16 =	smov.u32 @p2 s15;
	s15 =	sadd.s32 $0x20, s7;
	v5 =	vld [tilespmem:s13+$0x4B80]  }
0xd2: {  	s2 =	sor.u32 s12, s2;
	s12 =	sand.u32 $0x7F, s15;
	s13 =	sshll.u32 s16, $0x8;
	v6 =	vadd.f32 v0, v7  }
0xd3: {  	s2 =	sshra.s32 s2, $0x2;
	s16 =	sadd.s32 $0x20, s14;
	s13 =	sshra.s32 s13, $0x2;
	v1 =	vadd.f32 v1, v2  }
0xd4: {  	s2 =	sadd.s32 s9, s2;
	s17 =	sand.u32 $0x7F, s16;
	s16 =	sshll.u32 s16, $0x2;
	v0 =	vld [tilespmem:s13+$0x4B80];
	[tilespmem:s9+$0x13D80] =	vst v6  }
0xd5: {  	s11 =	sadd.s32 $0x400, s11;
	v2 =	vld [tilespmem:s2+$0xBD80];
	s2 =	sshll.u32 s15, $0x2  }
0xd6: {  	(v2sf) =	vpush v3, $0x0;
	s15 =	sand.u32 $0xFFFFFE00, s16;
	s16 =	sshll.u32 s17, $0x2;
	[tilespmem:s1+$0x13DB0] =	vst v1;
	s1 =	sand.u32 $0xFFFFFE00, s2  }
0xd7: {  	v1 =	vld [tilespmem:s10+$0x4B90];
	s2 =	sshll.u32 s12, $0x2;
	v3 =	vadd.f32 v5, v4;
	s12 =	sor.u32 s16, s15;
	s16 =	smov.u32 s10  }
0xd8: {  	s1 =	sor.u32 s2, s1;
	s2 =	sadd.s32 $0x30, s7;
	s7 =	sshra.s32 s12, $0x2  }
0xd9: {  	s1 =	sshra.s32 s1, $0x2;
	s12 =	sand.u32 $0x7F, s2;
	[tilespmem:s9+$0x13E10] =	vst v3;
	s7 =	sadd.s32 s9, s7  }
0xda: {  	s15 =	sadd.s32 s9, s1;
	s1 =	sshll.u32 s2, $0x2;
	v3 =	vld [tilespmem:s7+$0xBE00];
	s2 =	sor.u32 $0x60, s0  }
0xdb: {  	s10 =	smov.u32 s13;
	s7 =	sshll.u32 s12, $0x2;
	s1 =	sand.u32 $0xFFFFFE00, s1;
	v4 =	vld [tilespmem:s2+$0x4B80]  }
0xdc: {  	v1 =	vadd.f32 v1, v2;
	s2 =	sor.u32 s7, s1;
	s1 =	smov.u32 s9;
	s7 =	sadd.s32 $0x30, s14  }
0xdd: {  	s2 =	sshra.s32 s2, $0x2;
	s9 =	sand.u32 $0x7F, s7;
	s7 =	sshll.u32 s7, $0x2  }
0xde: {  	s12 =	sadd.s32 $0xC8, s3;
	[tilespmem:s1+$0x13D90] =	vst v1;
	s7 =	sand.u32 $0xFFFFFE00, s7;
	s9 =	sshll.u32 s9, $0x2  }
0xdf: {  	p2 =	slt.u32 s12, s3;
	v2 =	vld [tilespmem:s15+$0xBD80];
	s7 =	sor.u32 s9, s7  }
0xe0: {  	s15 =	smov.u32 s3;
	s14 =	spop (v2sf);
	v5 =	vld [tilespmem:s16+$0x4BA0];
	v1 =	vadd.f32 v4, v3;
	s7 =	sshra.s32 s7, $0x2  }
0xe1: {  	s15 =	smov.u32 @p2 s12;
	s9 =	sand.u32 $0x7F, s14;
	s13 =	sshll.u32 s14, $0x2  }
0xe2: {  	s7 =	sadd.s32 s1, s7;
	s13 =	sand.u32 $0xFFFFFE00, s13;
	s9 =	sshll.u32 s9, $0x2;
	[tilespmem:s1+$0x13E20] =	vst v1  }
0xe3: {  	s12 =	sor.u32 s9, s13;
	v1 =	vld [tilespmem:s7+$0xBE00];
	s7 =	sor.u32 $0x70, s0;
	s9 =	sshra.s32 s11, $0x2  }
.Ltmp4:
0xe4: {  	s0 =	sshll.u32 s15, $0x6;
	s12 =	sshra.s32 s12, $0x2;
	v3 =	vld [tilespmem:s7+$0x4B80];
	(pc) =	sbr.rel @p1 .LBB2_9-.Ltmp4, $4  }
0xe5: {  	s17 =	sadd.s32 s1, s2;
	s12 =	sadd.s32 s9, s12;
	v4 =	vld [tilespmem:s0+$0x4B80];
	s7 =	spop (v2sf);
	v2 =	vadd.f32 v5, v2  }
0xe6: {  	s13 =	sand.u32 $0x7F, s7;
	s15 =	sshll.u32 s7, $0x2;
	s2 =	sadd.s32 $0x10, s7;
	v5 =	vld [tilespmem:s12+$0xBE00]  }
0xe7: {  	s15 =	sand.u32 $0xFFFFFE00, s15;
	s13 =	sshll.u32 s13, $0x2;
	s12 =	sand.u32 $0x7F, s2;
	[tilespmem:s1+$0x13DA0] =	vst v2  }
0xe8: {  	s8 =	sadd.s32 $0x2, s8;
	s15 =	sor.u32 s13, s15;
	s13 =	sadd.s32 $0x10, s14;
	v2 =	vld [tilespmem:s17+$0xBD80]  }
0xe9: {  	s28 =	simm.s32 $0x0;
	s3 =	smov.u32 s16;
	s16 =	smov.u32 s10  }
.LBB2_11:
0xea: {  	s8 =	sshra.s32 s15, $0x2  }
0xeb: {  	s8 =	sadd.s32 s9, s8  }
0xec: {  	v6 =	vld [tilespmem:s8+$0xBD80];
	_ =	sdelay $0x1  }
0xed: {  	s22 =	sand.u32 $0x7F, s13;
	s10 =	sshll.u32 s13, $0x2  }
0xee: {  	s2 =	sshll.u32 s2, $0x2;
	s10 =	sand.u32 $0xFFFFFE00, s10;
	v4 =	vadd.f32 v4, v5;
	s8 =	sshll.u32 s22, $0x2  }
0xef: {  	s23 =	sshll.u32 s12, $0x2;
	s2 =	sand.u32 $0xFFFFFE00, s2;
	s8 =	sor.u32 s8, s10  }
0xf0: {  	s24 =	sor.u32 $0x50, s0;
	s2 =	sor.u32 s23, s2;
	[tilespmem:s9+$0x13E00] =	vst v4;
	s8 =	sshra.s32 s8, $0x2;
	v0 =	vadd.f32 v0, v6  }
0xf1: {  	s2 =	sshra.s32 s2, $0x2;
	v58 =	vld [tilespmem:s24+$0x4B80];
	s8 =	sadd.s32 s9, s8  }
0xf2: {  	s2 =	sadd.s32 s9, s2;
	v4 =	vld [tilespmem:s8+$0xBE00];
	[tilespmem:s9+$0x13D80] =	vst v0  }
0xf3: {  	v0 =	vld [tilespmem:s2+$0xBD80]  }
0xf4: {  	v59 =	vld [tilespmem:s16+$0x4B90]  }
0xf5: {  	s25 =	sadd.s32 $0x20, s14;
	s29 =	sadd.s32 $0x20, s7  }
0xf6: {  	s26 =	sand.u32 $0x7F, s25;
	s11 =	sand.u32 $0x7F, s29;
	s2 =	sshll.u32 s25, $0x2  }
0xf7: {  	s10 =	sshll.u32 s29, $0x2;
	s8 =	sshll.u32 s26, $0x2;
	s2 =	sand.u32 $0xFFFFFE00, s2;
	v4 =	vadd.f32 v58, v4  }
0xf8: {  	s12 =	sshll.u32 s11, $0x2;
	s10 =	sand.u32 $0xFFFFFE00, s10;
	s2 =	sor.u32 s8, s2  }
0xf9: {  	s13 =	sor.u32 $0x60, s0;
	s8 =	sor.u32 s12, s10;
	s2 =	sshra.s32 s2, $0x2;
	[tilespmem:s9+$0x13E10] =	vst v4;
	v0 =	vadd.f32 v59, v0  }
0xfa: {  	s8 =	sshra.s32 s8, $0x2;
	s2 =	sadd.s32 s9, s2;
	v60 =	vld [tilespmem:s13+$0x4B80]  }
0xfb: {  	s8 =	sadd.s32 s9, s8;
	v4 =	vld [tilespmem:s2+$0xBE00];
	[tilespmem:s9+$0x13D90] =	vst v0  }
0xfc: {  	v0 =	vld [tilespmem:s8+$0xBD80]  }
0xfd: {  	s14 =	sadd.s32 $0x30, s14;
	v61 =	vld [tilespmem:s16+$0x4BA0]  }
0xfe: {  	s15 =	sand.u32 $0x7F, s14;
	s2 =	sshll.u32 s14, $0x2  }
0xff: {  	s17 =	sadd.s32 $0x30, s7;
	s2 =	sand.u32 $0xFFFFFE00, s2;
	s8 =	sshll.u32 s15, $0x2  }
0x100: {  	s18 =	sand.u32 $0x7F, s17;
	s7 =	sshll.u32 s17, $0x2;
	s2 =	sor.u32 s8, s2;
	v4 =	vadd.f32 v60, v4  }
0x101: {  	s7 =	sand.u32 $0xFFFFFE00, s7;
	s19 =	sshll.u32 s18, $0x2;
	s2 =	sshra.s32 s2, $0x2  }
0x102: {  	v5 =	vld @p0 [tilespmem:s3+$0x4BB0];
	s20 =	sor.u32 s19, s7;
	s2 =	sadd.s32 s9, s2;
	[tilespmem:s9+$0x13E20] =	vst v4;
	v0 =	vadd.f32 v61, v0  }
0x103: {  	s21 =	sor.u32 $0x70, s0;
	s3 =	sshra.s32 s20, $0x2;
	v4 =	vld [tilespmem:s2+$0xBE00]  }
0x104: {  	s22 =	sadd.s32 s9, s3;
	v62 =	vld [tilespmem:s21+$0x4B80];
	[tilespmem:s9+$0x13DA0] =	vst v0  }
0x105: {  	v0 =	vld [tilespmem:s22+$0xBD80]  }
0x106: {  	v7 =	vld [tilespmem:s16+$0x4BB0];
	_ =	sdelay $0x1  }
0x107: {  	v1 =	vadd.f32 @p0 v3, v1  }
0x108: {  	v2 =	vadd.f32 @p0 v5, v2  }
0x109: {  	[tilespmem:s1+$0x13E30] =	vst @p0 v1;
	v63 =	vadd.f32 v62, v4  }
0x10a: {  	[tilespmem:s1+$0x13DB0] =	vst @p0 v2;
	v0 =	vadd.f32 v7, v0  }
0x10b: {  	s31 =	simm.s32 $0x100;
	[tilespmem:s9+$0x13E30] =	vst v63  }
0x10c: {  	s0 =	simm.s32 $0x3301;
	s29 =	simm.s32 $0x1A80;
	s24 =	simm.s32 $0x13D80;
	[tilespmem:s9+$0x13DB0] =	vst v0  }
0x10d: {  	s26 =	simm.s32 $0xBD80;
	s1 =	simm.s32 $0x180;
	s23 =	rddreg [dreg:$0xa]  }
0x10e: {  	[hbm4b:s23+s30] =	stream.linear.scatter [tilespmem:s24], [sflag:$0x4], $0x4000, $0x38;
	[tilespmem:$0x17D80] =	vst v63  }
0x10f: {  	s25 =	simm.s32 $0x80;
	s14 =	simm.s32 $0x3381;
	s16 =	simm.s32 $0x0  }
0x110: {  	[tilespmem:s26], [sflag:$0x2] =	stream.indirect.gather [hbm4b:s5+s25], $0x80, s29, s25, $0xb8;
	[tilespmem:$0x17D80] =	vst v63  }
.LBB2_12:
0x111: {  	s2 =	smulhi.u32 $0x51EB851F, s1  }
0x112: {  	s3 =	smulhi.u32 $0x51EB851F, s31  }
0x113: {  	s2 =	sshrl.u32 s2, $0x6  }
0x114: {  	s3 =	sshrl.u32 s3, $0x6;
	s2 =	smul.u32 $0xC8, s2  }
0x115: {  	s3 =	smul.u32 $0xC8, s3  }
0x116: {  	s2 =	ssub.s32 s30, s2  }
0x117: {  	s17 =	ssub.s32 s30, s3;
	[dreg:$0x4] =	wrdreg s2  }
0x118: {  	s18 =	simm.s32 $0x1;
	[dreg:$0x3] =	wrdreg s17  }
0x119: {  	_ =	swait.ge [sflag:s18], $0x4000  }
0x11a: {  	[sflag:s18] =	ssyncset.done $0x0  }
0x11b: {  	s19 =	simm.s32 $0x3;
	[sflag:s18] =	ssyncadd.s32 $0xFFFFC000  }
0x11c: {  	_ =	swait.ge [sflag:s19], $0x4000  }
0x11d: {  	[sflag:s19] =	ssyncset.done $0x0  }
0x11e: {  	[sflag:s19] =	ssyncadd.s32 $0xFFFFC000  }
0x11f: {  	v0 =	vld [tilespmem:s0+$0xFFFFFFFF];
	_ =	sdelay $0x1  }
0x120: {  	v1 =	vld [tilespmem:s0+$0x0];
	_ =	sdelay $0x2  }
0x121: {  	(v2sf) =	vpush v0, $0x0;
	_ =	sdelay $0x1  }
0x122: {  	(v2sf) =	vpush v1, $0x0;
	_ =	sdelay $0x7  }
0x123: {  	s21 =	rddreg [dreg:$0x3]  }
0x124: {  	s8 =	sadd.s32 $0x2, s0;
	s23 =	sadd.s32 $0xFFFFFFFE, s21  }
0x125: {  	s10 =	sadd.s32 $0x103, s23;
	v0 =	vld [tilespmem:s8+$0xFFFFFFFF]  }
0x126: {  	p0 =	slt.u32 s10, $0xC8;
	s10 =	sshll.u32 s10, $0x8  }
0x127: {  	s25 =	simm.s32 $0x0;
	s17 =	sadd.s32 $0xFFFF3800, s10  }
0x128: {  	s18 =	sshll.u32 s16, $0x8;
	s17 =	smov.u32 @p0 s10;
	s20 =	spop (v2sf)  }
0x129: {  	s22 =	sadd.s32 $0x100, s18;
	s10 =	sshra.s32 s17, $0x2;
	s7 =	sand.u32 $0x7F, s20  }
0x12a: {  	(v2sf) =	vpush v0, $0x0;
	s9 =	sshll.u32 s20, $0x2;
	s11 =	sadd.s32 $0x10, s20;
	s3 =	spop (v2sf)  }
0x12b: {  	s9 =	sand.u32 $0xFFFFFE00, s9;
	s13 =	sand.u32 $0x7F, s3;
	s15 =	sshll.u32 s3, $0x2  }
0x12c: {  	s7 =	sshll.u32 s7, $0x2;
	s15 =	sand.u32 $0xFFFFFE00, s15;
	s13 =	sshll.u32 s13, $0x2  }
0x12d: {  	s7 =	sor.u32 s7, s9;
	s9 =	sadd.s32 $0x102, s23;
	s13 =	sor.u32 s13, s15  }
0x12e: {  	s7 =	sshra.s32 s7, $0x2;
	s15 =	sshll.u32 s9, $0x8;
	s13 =	sshra.s32 s13, $0x2  }
0x12f: {  	v0 =	vld [tilespmem:s10+$0x4B80];
	p0 =	slt.u32 s9, $0xC8;
	s9 =	sadd.s32 $0xFFFF3800, s15;
	s13 =	sadd.s32 $0x0, s13  }
0x130: {  	s26 =	sadd.s32 $0x20, s20;
	s7 =	sadd.s32 $0x0, s7;
	s9 =	smov.u32 @p0 s15;
	v1 =	vld [tilespmem:s13+$0x7E00]  }
0x131: {  	s12 =	sand.u32 $0x7F, s11;
	s11 =	sshll.u32 s11, $0x2;
	v2 =	vld [tilespmem:s7+$0x7D80];
	s7 =	sshra.s32 s9, $0x2  }
0x132: {  	s2 =	sadd.s32 $0x30, s20;
	s29 =	sadd.s32 $0x10, s3;
	s11 =	sand.u32 $0xFFFFFE00, s11;
	v3 =	vld [tilespmem:s7+$0x4B80]  }
0x133: {  	s24 =	sshll.u32 s12, $0x2;
	s15 =	sand.u32 $0x7F, s29;
	s13 =	sshll.u32 s29, $0x2  }
0x134: {  	v4 =	vld [tilespmem:s8+$0x0];
	s9 =	sor.u32 s24, s11;
	s11 =	sshll.u32 s15, $0x2;
	s13 =	sand.u32 $0xFFFFFE00, s13  }
0x135: {  	s17 =	sand.u32 $0x7F, s26;
	s20 =	sshll.u32 s2, $0x2;
	s11 =	sor.u32 s11, s13;
	v0 =	vadd.f32 v0, v1  }
0x136: {  	s2 =	sand.u32 $0x7F, s2;
	s12 =	sshll.u32 s26, $0x2;
	s11 =	sshra.s32 s11, $0x2  }
0x137: {  	s23 =	sand.u32 $0xFFFFFE00, s20;
	s2 =	sshll.u32 s2, $0x2;
	s11 =	sadd.s32 $0x0, s11;
	v1 =	vadd.f32 v3, v2;
	[tilespmem:s25+$0xFE00] =	vst v0  }
0x138: {  	s19 =	sand.u32 $0xFFFFFE00, s12;
	s12 =	simm.s32 $0x2;
	s9 =	sshra.s32 s9, $0x2;
	v0 =	vld [tilespmem:s11+$0x7E00]  }
0x139: {  	s15 =	sshll.u32 s17, $0x2;
	s9 =	sadd.s32 $0x0, s9;
	[tilespmem:s25+$0xFD80] =	vst v1;
	v1 =	vld [tilespmem:s10+$0x4B90];
	s11 =	spop (v2sf);
	(v2sf) =	vpush v4, $0x0  }
0x13a: {  	s2 =	sor.u32 s2, s23;
	s24 =	sadd.s32 $0x20, s3;
	s13 =	sor.u32 s15, s19;
	v2 =	vld [tilespmem:s9+$0x7D80]  }
0x13b: {  	s26 =	sshll.u32 s24, $0x2;
	s19 =	rddreg [dreg:$0x3];
	s21 =	sshra.s32 s13, $0x2;
	v3 =	vld [tilespmem:s7+$0x4B90]  }
0x13c: {  	s13 =	sand.u32 $0xFFFFFE00, s26;
	s26 =	sadd.s32 $0x0, s19;
	s9 =	sand.u32 $0x7F, s24  }
0x13d: {  	s17 =	sadd.s32 $0x0, s21;
	s29 =	sand.u32 $0x7F, s11;
	s9 =	sshll.u32 s9, $0x2  }
0x13e: {  	s21 =	sshll.u32 s11, $0x2;
	s23 =	sadd.s32 $0x10, s11;
	s13 =	sor.u32 s9, s13;
	v0 =	vadd.f32 v1, v0  }
0x13f: {  	s21 =	sand.u32 $0xFFFFFE00, s21;
	s15 =	sshll.u32 s29, $0x2;
	s20 =	sshra.s32 s13, $0x2  }
0x140: {  	s19 =	sand.u32 $0x7F, s23;
	s9 =	sshra.s32 s2, $0x2;
	s2 =	sadd.s32 $0x0, s20;
	v2 =	vadd.f32 v3, v2;
	[tilespmem:s25+$0xFE10] =	vst v0  }
0x141: {  	s29 =	sadd.s32 $0x103, s26;
	s21 =	sor.u32 s15, s21;
	s15 =	sadd.s32 $0x102, s26;
	v1 =	vld [tilespmem:s2+$0x7E00]  }
0x142: {  	p1 =	slt.u32 s29, $0xC8;
	s24 =	sshra.s32 s21, $0x2;
	s21 =	sshll.u32 s23, $0x2;
	[tilespmem:s25+$0xFD90] =	vst v2;
	v2 =	vld [tilespmem:s10+$0x4BA0]  }
0x143: {  	s13 =	sadd.s32 $0x2, s8;
	s8 =	simm.s32 $0x0;
	s2 =	sshll.u32 s29, $0x8;
	v0 =	vld [tilespmem:s17+$0x7D80]  }
.LBB2_13:
0x144: {  	s20 =	sadd.s32 $0xFFFF3800, s2  }
0x145: {  	s23 =	sadd.s32 $0x30, s3;
	s29 =	smov.u32 s25;
	s26 =	smov.u32 s7  }
0x146: {  	v3 =	vld [tilespmem:s13+$0xFFFFFFFF];
	s17 =	smov.u32 s12;
	s8 =	sadd.s32 $0x400, s8;
	s20 =	smov.u32 @p1 s2  }
0x147: {  	v4 =	vld [tilespmem:s26+$0x4BA0];
	s25 =	sand.u32 $0x7F, s23;
	s23 =	sshll.u32 s23, $0x2;
	s2 =	sshra.s32 s20, $0x2  }
0x148: {  	s20 =	sand.u32 $0xFFFFFE00, s23;
	s7 =	sshll.u32 s25, $0x2;
	s3 =	spop (v2sf)  }
0x149: {  	s7 =	sor.u32 s7, s20;
	s23 =	sand.u32 $0x7F, s3;
	s25 =	sshll.u32 s3, $0x2;
	v1 =	vadd.f32 v2, v1  }
0x14a: {  	v2 =	vld [tilespmem:s13+$0x0];
	s7 =	sshra.s32 s7, $0x2;
	s25 =	sand.u32 $0xFFFFFE00, s25;
	s23 =	sshll.u32 s23, $0x2  }
0x14b: {  	p0 =	slt.u32 s15, $0xC8;
	(v2sf) =	vpush v3, $0x0;
	v3 =	vld [tilespmem:s2+$0x4B80];
	s7 =	sadd.s32 s29, s7;
	s20 =	sor.u32 s23, s25;
	[tilespmem:s29+$0xFE20] =	vst v1  }
0x14c: {  	s25 =	sshra.s32 s8, $0x2;
	s23 =	sshll.u32 s15, $0x8;
	v0 =	vadd.f32 v4, v0;
	s20 =	sshra.s32 s20, $0x2;
	v1 =	vld [tilespmem:s7+$0x7E00]  }
0x14d: {  	s12 =	sadd.s32 $0x2, s12;
	s7 =	sadd.s32 $0xFFFF3800, s23;
	v62 =	vld [tilespmem:s10+$0x4BB0];
	s15 =	sadd.s32 s25, s20  }
0x14e: {  	s13 =	sadd.s32 $0x2, s13;
	s20 =	sadd.s32 s25, s24;
	s7 =	smov.u32 @p0 s23;
	[tilespmem:s29+$0xFDA0] =	vst v0;
	v5 =	vld [tilespmem:s15+$0x7E00]  }
0x14f: {  	s24 =	sand.u32 $0xFFFFFE00, s21;
	s21 =	sadd.s32 $0x10, s3;
	v0 =	vld [tilespmem:s20+$0x7D80];
	s7 =	sshra.s32 s7, $0x2  }
0x150: {  	p0 =	slt.u32 s12, $0x7E;
	s15 =	sshll.u32 s19, $0x2;
	s19 =	sadd.s32 $0x20, s11;
	v6 =	vld [tilespmem:s7+$0x4B80]  }
0x151: {  	s23 =	sand.u32 $0x7F, s21;
	s20 =	sshll.u32 s21, $0x2;
	s10 =	sor.u32 s15, s24  }
0x152: {  	s24 =	sand.u32 $0x7F, s19;
	s20 =	sand.u32 $0xFFFFFE00, s20;
	s21 =	sshll.u32 s23, $0x2;
	v1 =	vadd.f32 v62, v1  }
0x153: {  	(v2sf) =	vpush v2, $0x0;
	s15 =	sshll.u32 s19, $0x2;
	s23 =	sadd.s32 $0x20, s3;
	s20 =	sor.u32 s21, s20;
	v2 =	vadd.f32 v3, v5  }
0x154: {  	s10 =	sshra.s32 s10, $0x2;
	s15 =	sand.u32 $0xFFFFFE00, s15;
	s20 =	sshra.s32 s20, $0x2;
	[tilespmem:s29+$0xFE30] =	vst v1  }
0x155: {  	v7 =	vld [tilespmem:s26+$0x4BB0];
	s19 =	sshll.u32 s24, $0x2;
	s24 =	sadd.s32 $0x30, s11;
	s20 =	sadd.s32 s25, s20;
	v0 =	vadd.f32 v6, v0;
	[tilespmem:s25+$0xFE00] =	vst v2  }
0x156: {  	s10 =	sadd.s32 s25, s10;
	s26 =	sand.u32 $0x7F, s24;
	s11 =	sshll.u32 s24, $0x2;
	v1 =	vld [tilespmem:s20+$0x7E00]  }
0x157: {  	s15 =	sor.u32 s19, s15;
	s11 =	sand.u32 $0xFFFFFE00, s11;
	s19 =	sshll.u32 s26, $0x2;
	[tilespmem:s25+$0xFD80] =	vst v0;
	v0 =	vld [tilespmem:s2+$0x4B90]  }
0x158: {  	s21 =	sadd.s32 s29, s9;
	s24 =	sand.u32 $0x7F, s23;
	s19 =	sor.u32 s19, s11;
	v2 =	vld [tilespmem:s10+$0x7D80]  }
0x159: {  	s15 =	sshra.s32 s15, $0x2;
	s9 =	sshra.s32 s19, $0x2;
	s19 =	sshll.u32 s23, $0x2;
	v3 =	vld [tilespmem:s7+$0x4B90]  }
0x15a: {  	s19 =	sand.u32 $0xFFFFFE00, s19;
	s10 =	smov.u32 s2;
	v63 =	vld [tilespmem:s21+$0x7D80];
	s2 =	sshll.u32 s24, $0x2  }
0x15b: {  	s20 =	sadd.s32 s25, s15;
	s2 =	sor.u32 s2, s19;
	s11 =	spop (v2sf)  }
0x15c: {  	s21 =	rddreg [dreg:$0x3];
	s2 =	sshra.s32 s2, $0x2;
	s15 =	sand.u32 $0x7F, s11;
	v0 =	vadd.f32 v0, v1  }
.Ltmp5:
0x15d: {  	s26 =	sshll.u32 s11, $0x2;
	s2 =	sadd.s32 s25, s2;
	(pc) =	sbr.rel @p0 .LBB2_13-.Ltmp5, $4  }
0x15e: {  	s24 =	sand.u32 $0xFFFFFE00, s26;
	s15 =	sshll.u32 s15, $0x2;
	s26 =	sadd.s32 $0x10, s11;
	v2 =	vadd.f32 v3, v2;
	[tilespmem:s25+$0xFE10] =	vst v0  }
0x15f: {  	s17 =	sadd.s32 s17, s21;
	s15 =	sor.u32 s15, s24;
	s19 =	sand.u32 $0x7F, s26;
	v3 =	vadd.f32 v7, v63;
	v1 =	vld [tilespmem:s2+$0x7E00]  }
0x160: {  	s21 =	sshll.u32 s26, $0x2;
	s26 =	sadd.s32 $0x103, s17;
	s24 =	sshra.s32 s15, $0x2;
	[tilespmem:s25+$0xFD90] =	vst v2;
	v2 =	vld [tilespmem:s10+$0x4BA0]  }
0x161: {  	s15 =	sadd.s32 $0x102, s17;
	p1 =	slt.u32 s26, $0xC8;
	s2 =	sshll.u32 s26, $0x8;
	v0 =	vld [tilespmem:s20+$0x7D80];
	[tilespmem:s29+$0xFDB0] =	vst v3  }
0x162: {  	s13 =	spop (v2sf)  }
0x163: {  	s12 =	sadd.s32 $0xFFFF3800, s2;
	s17 =	sand.u32 $0x7F, s13;
	s20 =	sshll.u32 s13, $0x2  }
0x164: {  	s8 =	sadd.s32 $0x400, s8;
	s29 =	sand.u32 $0xFFFFFE00, s20;
	s17 =	sshll.u32 s17, $0x2  }
0x165: {  	s12 =	smov.u32 @p1 s2;
	s8 =	sshra.s32 s8, $0x2;
	s2 =	sor.u32 s17, s29  }
0x166: {  	s12 =	sshra.s32 s12, $0x2;
	s17 =	sshll.u32 s15, $0x8;
	s2 =	sshra.s32 s2, $0x2  }
0x167: {  	p0 =	slt.u32 s15, $0xC8;
	v3 =	vld [tilespmem:s12+$0x4B80];
	s15 =	sadd.s32 $0xFFFF3800, s17;
	s2 =	sadd.s32 s8, s2  }
0x168: {  	s20 =	sadd.s32 s8, s24;
	s15 =	smov.u32 @p0 s17;
	v4 =	vld [tilespmem:s2+$0x7E00]  }
0x169: {  	v5 =	vld [tilespmem:s20+$0x7D80];
	s2 =	sshra.s32 s15, $0x2  }
0x16a: {  	s23 =	sadd.s32 $0x10, s13;
	v6 =	vld [tilespmem:s2+$0x4B80]  }
0x16b: {  	s24 =	sand.u32 $0x7F, s23;
	s15 =	sshll.u32 s23, $0x2  }
0x16c: {  	s17 =	sshll.u32 s24, $0x2;
	s15 =	sand.u32 $0xFFFFFE00, s15  }
0x16d: {  	s15 =	sor.u32 s17, s15;
	v3 =	vadd.f32 v3, v4  }
0x16e: {  	s26 =	sand.u32 $0xFFFFFE00, s21;
	s19 =	sshll.u32 s19, $0x2;
	s15 =	sshra.s32 s15, $0x2  }
0x16f: {  	s17 =	sor.u32 s19, s26;
	s15 =	sadd.s32 s8, s15;
	v53 =	vadd.f32 v6, v5;
	[tilespmem:s8+$0xFE00] =	vst v3  }
0x170: {  	s17 =	sshra.s32 s17, $0x2;
	v3 =	vld [tilespmem:s15+$0x7E00]  }
0x171: {  	s29 =	sadd.s32 s8, s17;
	[tilespmem:s8+$0xFD80] =	vst v53;
	v54 =	vld [tilespmem:s12+$0x4B90]  }
0x172: {  	v55 =	vld [tilespmem:s29+$0x7D80]  }
0x173: {  	s17 =	sadd.s32 $0x20, s13;
	v56 =	vld [tilespmem:s2+$0x4B90]  }
0x174: {  	s19 =	sand.u32 $0x7F, s17;
	s15 =	sshll.u32 s17, $0x2  }
0x175: {  	s20 =	sadd.s32 $0x20, s11;
	s17 =	sshll.u32 s19, $0x2;
	s15 =	sand.u32 $0xFFFFFE00, s15  }
0x176: {  	s21 =	sand.u32 $0x7F, s20;
	s19 =	sshll.u32 s20, $0x2;
	s15 =	sor.u32 s17, s15;
	v3 =	vadd.f32 v54, v3  }
0x177: {  	v57 =	vld [tilespmem:s7+$0x4BA0];
	s24 =	sshll.u32 s21, $0x2;
	s23 =	sand.u32 $0xFFFFFE00, s19;
	s15 =	sshra.s32 s15, $0x2  }
0x178: {  	s17 =	sor.u32 s24, s23;
	s15 =	sadd.s32 s8, s15;
	v5 =	vadd.f32 v56, v55;
	[tilespmem:s8+$0xFE10] =	vst v3  }
0x179: {  	s3 =	sadd.s32 $0x30, s3;
	s17 =	sshra.s32 s17, $0x2;
	v3 =	vld [tilespmem:s15+$0x7E00]  }
0x17a: {  	s26 =	sand.u32 $0x7F, s3;
	s3 =	sshll.u32 s3, $0x2;
	s17 =	sadd.s32 s8, s17;
	[tilespmem:s8+$0xFD90] =	vst v5;
	v58 =	vld [tilespmem:s12+$0x4BA0]  }
0x17b: {  	v1 =	vadd.f32 v2, v1;
	s3 =	sand.u32 $0xFFFFFE00, s3;
	s29 =	sshll.u32 s26, $0x2;
	v2 =	vld [tilespmem:s17+$0x7D80]  }
0x17c: {  	v0 =	vadd.f32 v57, v0;
	s13 =	sadd.s32 $0x30, s13;
	s3 =	sor.u32 s29, s3;
	v59 =	vld [tilespmem:s2+$0x4BA0]  }
0x17d: {  	[tilespmem:s25+$0xFE20] =	vst v1;
	s24 =	sadd.s32 s25, s9;
	s17 =	sand.u32 $0x7F, s13;
	s13 =	sshll.u32 s13, $0x2  }
0x17e: {  	v60 =	vld [tilespmem:s10+$0x4BB0];
	[tilespmem:s25+$0xFDA0] =	vst v0;
	s3 =	sshra.s32 s3, $0x2;
	s20 =	sand.u32 $0xFFFFFE00, s13;
	s21 =	sshll.u32 s17, $0x2  }
0x17f: {  	s19 =	sadd.s32 $0x30, s11;
	v61 =	vld [tilespmem:s24+$0x7D80];
	s3 =	sadd.s32 s25, s3;
	s11 =	sor.u32 s21, s20;
	v0 =	vadd.f32 v58, v3  }
0x180: {  	s23 =	sand.u32 $0x7F, s19;
	v1 =	vld [tilespmem:s3+$0x7E00];
	s3 =	sshll.u32 s19, $0x2;
	s26 =	sshra.s32 s11, $0x2  }
0x181: {  	s10 =	sshll.u32 s23, $0x2;
	s3 =	sand.u32 $0xFFFFFE00, s3;
	v3 =	vld [tilespmem:s7+$0x4BB0];
	s29 =	sadd.s32 s8, s26;
	[tilespmem:s8+$0xFE20] =	vst v0;
	v0 =	vadd.f32 v59, v2  }
0x182: {  	s3 =	sor.u32 s10, s3;
	v2 =	vld [tilespmem:s29+$0x7E00]  }
0x183: {  	s3 =	sshra.s32 s3, $0x2;
	v62 =	vld [tilespmem:s12+$0x4BB0];
	[tilespmem:s8+$0xFDA0] =	vst v0  }
0x184: {  	s7 =	sadd.s32 s8, s3;
	v0 =	vld [tilespmem:s2+$0x4BB0]  }
0x185: {  	v7 =	vld [tilespmem:s7+$0x7D80];
	_ =	sdelay $0x1  }
0x186: {  	v1 =	vadd.f32 v60, v1  }
0x187: {  	v3 =	vadd.f32 v3, v61  }
0x188: {  	[tilespmem:s25+$0xFE30] =	vst v1;
	v1 =	vadd.f32 v62, v2  }
0x189: {  	s9 =	sadd.s32 s4, s22;
	[tilespmem:s25+$0xFDB0] =	vst v3;
	v0 =	vadd.f32 v0, v7  }
0x18a: {  	s22 =	sand.u32 $0x3FFFFF00, s18;
	s10 =	simm.s32 $0xFD80;
	s2 =	sshll.u32 s9, $0x4;
	[tilespmem:s8+$0xFE30] =	vst v1  }
0x18b: {  	s15 =	simm.s32 $0x2;
	s7 =	simm.s32 $0x0;
	s2 =	sadd.s32 s6, s2;
	[tilespmem:s8+$0xFDB0] =	vst v0  }
0x18c: {  	[hbm4b:s2+s7] =	stream.linear.scatter [tilespmem:s10], [sflag:$0x3], $0x4000, $0x38;
	[tilespmem:$0x17D80] =	vst v63  }
0x18d: {  	s13 =	simm.s32 $0x7D80;
	s11 =	sadd.s32 $0x1B00, s22;
	s12 =	simm.s32 $0x80  }
0x18e: {  	[tilespmem:s13], [sflag:$0x1] =	stream.indirect.gather [hbm4b:s5+s12], $0x80, s11, s12, $0xb8;
	[tilespmem:$0x17D80] =	vst v63  }
0x18f: {  	_ =	swait.ge [sflag:s15], $0x4000  }
0x190: {  	[sflag:s15] =	ssyncset.done $0x0  }
0x191: {  	s17 =	simm.s32 $0x4;
	[sflag:s15] =	ssyncadd.s32 $0xFFFFC000  }
0x192: {  	_ =	swait.ge [sflag:s17], $0x4000  }
0x193: {  	[sflag:s17] =	ssyncset.done $0x0  }
0x194: {  	[sflag:s17] =	ssyncadd.s32 $0xFFFFC000  }
0x195: {  	v0 =	vld [tilespmem:s14+$0xFFFFFFFF]  }
0x196: {  	v1 =	vld [tilespmem:s14+$0x0];
	_ =	sdelay $0x3  }
0x197: {  	(v2sf) =	vpush v0, $0x0  }
0x198: {  	(v2sf) =	vpush v1, $0x0;
	_ =	sdelay $0xa  }
0x199: {  	s13 =	sadd.s32 $0x2, s14;
	s19 =	rddreg [dreg:$0x4]  }
0x19a: {  	s3 =	sadd.s32 $0xFFFFFFFE, s19;
	v0 =	vld [tilespmem:s13+$0xFFFFFFFF]  }
0x19b: {  	s23 =	sadd.s32 $0x183, s3  }
0x19c: {  	s3 =	sadd.s32 $0x182, s3;
	p0 =	slt.u32 s23, $0xC8;
	s2 =	spop (v2sf)  }
0x19d: {  	s20 =	sshll.u32 s2, $0x2;
	s21 =	sand.u32 $0x7F, s2;
	s25 =	spop (v2sf)  }
0x19e: {  	s8 =	sand.u32 $0xFFFFFE00, s20;
	s9 =	sshll.u32 s21, $0x2;
	s24 =	sand.u32 $0x7F, s25  }
0x19f: {  	(v2sf) =	vpush v0, $0x0;
	s26 =	sshll.u32 s25, $0x2;
	s8 =	sor.u32 s9, s8;
	s9 =	sshll.u32 s23, $0x8  }
0x1a0: {  	s11 =	sand.u32 $0xFFFFFE00, s26;
	s10 =	sshll.u32 s24, $0x2;
	s12 =	sadd.s32 $0xFFFF3800, s9  }
0x1a1: {  	s8 =	sshra.s32 s8, $0x2;
	s29 =	sor.u32 s10, s11;
	s12 =	smov.u32 @p0 s9  }
0x1a2: {  	s10 =	sshll.u32 s3, $0x8;
	s9 =	sshra.s32 s29, $0x2;
	s11 =	sshra.s32 s12, $0x2  }
0x1a3: {  	p0 =	slt.u32 s3, $0xC8;
	s3 =	sadd.s32 $0xFFFF3800, s10;
	s9 =	sadd.s32 $0x0, s9;
	v0 =	vld [tilespmem:s11+$0x4B80]  }
0x1a4: {  	s15 =	sadd.s32 $0x10, s2;
	s8 =	sadd.s32 $0x0, s8;
	s3 =	smov.u32 @p0 s10;
	v1 =	vld [tilespmem:s9+$0xBE00]  }
0x1a5: {  	s17 =	sand.u32 $0x7F, s15;
	v2 =	vld [tilespmem:s8+$0xBD80];
	s10 =	sshra.s32 s3, $0x2  }
0x1a6: {  	s19 =	sadd.s32 $0x10, s25;
	s21 =	sadd.s32 $0x20, s2;
	s2 =	sadd.s32 $0x30, s2;
	v3 =	vld [tilespmem:s10+$0x4B80]  }
0x1a7: {  	s20 =	sand.u32 $0x7F, s19;
	s23 =	sand.u32 $0x7F, s21;
	s12 =	sshll.u32 s19, $0x2  }
0x1a8: {  	s9 =	sshll.u32 s15, $0x2;
	s12 =	sand.u32 $0xFFFFFE00, s12;
	s15 =	sshll.u32 s20, $0x2  }
0x1a9: {  	v63 =	vld [tilespmem:s13+$0x0];
	s26 =	sand.u32 $0x7F, s2;
	s8 =	sshll.u32 s17, $0x2;
	s12 =	sor.u32 s15, s12;
	v0 =	vadd.f32 v0, v1  }
0x1aa: {  	s3 =	simm.s32 $0x0;
	s9 =	sand.u32 $0xFFFFFE00, s9;
	s12 =	sshra.s32 s12, $0x2  }
0x1ab: {  	s2 =	sshll.u32 s2, $0x2;
	s8 =	sor.u32 s8, s9;
	s12 =	sadd.s32 $0x0, s12;
	v1 =	vadd.f32 v3, v2;
	[tilespmem:s3+$0x13E00] =	vst v0  }
0x1ac: {  	s24 =	sshll.u32 s21, $0x2;
	s2 =	sand.u32 $0xFFFFFE00, s2;
	s8 =	sshra.s32 s8, $0x2;
	v0 =	vld [tilespmem:s12+$0xBE00]  }
0x1ad: {  	s15 =	sand.u32 $0xFFFFFE00, s24;
	s8 =	sadd.s32 $0x0, s8;
	[tilespmem:s3+$0x13D80] =	vst v1;
	v1 =	vld [tilespmem:s11+$0x4B90];
	s12 =	sshll.u32 s26, $0x2  }
0x1ae: {  	s9 =	sshll.u32 s23, $0x2;
	v2 =	vld [tilespmem:s8+$0xBD80];
	s2 =	sor.u32 s12, s2;
	s12 =	spop (v2sf);
	(v2sf) =	vpush v63, $0x0  }
0x1af: {  	s18 =	sadd.s32 $0x180, s18;
	s19 =	sadd.s32 $0x20, s25;
	s9 =	sor.u32 s9, s15;
	v3 =	vld [tilespmem:s10+$0x4B90]  }
0x1b0: {  	s20 =	sand.u32 $0x7F, s19;
	s23 =	rddreg [dreg:$0x4];
	s9 =	sshra.s32 s9, $0x2  }
0x1b1: {  	s29 =	sadd.s32 $0x0, s9;
	s9 =	sshra.s32 s2, $0x2;
	s2 =	sshll.u32 s19, $0x2  }
0x1b2: {  	s17 =	sshll.u32 s20, $0x2;
	s20 =	sadd.s32 $0x0, s23;
	s2 =	sand.u32 $0xFFFFFE00, s2  }
0x1b3: {  	s13 =	sadd.s32 $0x2, s13;
	s15 =	sadd.s32 $0x182, s20;
	s2 =	sor.u32 s17, s2;
	v0 =	vadd.f32 v1, v0  }
0x1b4: {  	s8 =	simm.s32 $0x2;
	s21 =	sand.u32 $0x7F, s12;
	s2 =	sshra.s32 s2, $0x2;
	v2 =	vadd.f32 v3, v2  }
0x1b5: {  	s24 =	sshll.u32 s12, $0x2;
	s26 =	sadd.s32 $0x10, s12;
	s2 =	sadd.s32 $0x0, s2;
	[tilespmem:s3+$0x13E10] =	vst v0  }
0x1b6: {  	s19 =	sshll.u32 s21, $0x2;
	s21 =	sshll.u32 s26, $0x2;
	s17 =	sand.u32 $0xFFFFFE00, s24;
	v1 =	vld [tilespmem:s2+$0xBE00];
	[tilespmem:s3+$0x13D90] =	vst v2  }
0x1b7: {  	s17 =	sor.u32 s19, s17;
	s19 =	sand.u32 $0x7F, s26;
	v0 =	vld [tilespmem:s29+$0xBD80];
	s29 =	sadd.s32 $0x183, s20  }
0x1b8: {  	s24 =	sshra.s32 s17, $0x2;
	v2 =	vld [tilespmem:s11+$0x4BA0];
	p1 =	slt.u32 s29, $0xC8;
	s2 =	sshll.u32 s29, $0x8  }
.LBB2_15:
0x1b9: {  	s20 =	sadd.s32 $0xFFFF3800, s2  }
0x1ba: {  	s23 =	sadd.s32 $0x30, s25;
	s29 =	smov.u32 s3;
	s26 =	smov.u32 s10  }
0x1bb: {  	v3 =	vld [tilespmem:s13+$0xFFFFFFFF];
	s17 =	smov.u32 s8;
	s7 =	sadd.s32 $0x400, s7;
	s20 =	smov.u32 @p1 s2  }
0x1bc: {  	v4 =	vld [tilespmem:s26+$0x4BA0];
	s3 =	sand.u32 $0x7F, s23;
	s23 =	sshll.u32 s23, $0x2;
	s2 =	sshra.s32 s20, $0x2  }
0x1bd: {  	s10 =	sand.u32 $0xFFFFFE00, s23;
	s3 =	sshll.u32 s3, $0x2;
	s25 =	spop (v2sf)  }
0x1be: {  	s3 =	sor.u32 s3, s10;
	s20 =	sand.u32 $0x7F, s25;
	s23 =	sshll.u32 s25, $0x2;
	v1 =	vadd.f32 v2, v1  }
0x1bf: {  	v2 =	vld [tilespmem:s13+$0x0];
	s3 =	sshra.s32 s3, $0x2;
	s23 =	sand.u32 $0xFFFFFE00, s23;
	s20 =	sshll.u32 s20, $0x2  }
0x1c0: {  	p0 =	slt.u32 s15, $0xC8;
	(v2sf) =	vpush v3, $0x0;
	v3 =	vld [tilespmem:s2+$0x4B80];
	s10 =	sor.u32 s20, s23;
	[tilespmem:s29+$0x13E20] =	vst v1;
	s20 =	sadd.s32 s29, s3  }
0x1c1: {  	s3 =	sshra.s32 s7, $0x2;
	s23 =	sshll.u32 s15, $0x8;
	v0 =	vadd.f32 v4, v0;
	s10 =	sshra.s32 s10, $0x2;
	v1 =	vld [tilespmem:s20+$0xBE00]  }
0x1c2: {  	s8 =	sadd.s32 $0x2, s8;
	s15 =	sadd.s32 $0xFFFF3800, s23;
	v62 =	vld [tilespmem:s11+$0x4BB0];
	s10 =	sadd.s32 s3, s10  }
0x1c3: {  	s13 =	sadd.s32 $0x2, s13;
	s20 =	sadd.s32 s3, s24;
	s15 =	smov.u32 @p0 s23;
	[tilespmem:s29+$0x13DA0] =	vst v0;
	v5 =	vld [tilespmem:s10+$0xBE00]  }
0x1c4: {  	s24 =	sand.u32 $0xFFFFFE00, s21;
	s21 =	sadd.s32 $0x10, s25;
	v0 =	vld [tilespmem:s20+$0xBD80];
	s10 =	sshra.s32 s15, $0x2  }
0x1c5: {  	s23 =	sand.u32 $0x7F, s21;
	p0 =	slt.u32 s8, $0x7E;
	s15 =	sshll.u32 s19, $0x2;
	v6 =	vld [tilespmem:s10+$0x4B80]  }
0x1c6: {  	s19 =	sadd.s32 $0x20, s12;
	s20 =	sshll.u32 s21, $0x2;
	s21 =	sshll.u32 s23, $0x2  }
0x1c7: {  	s23 =	sadd.s32 $0x20, s25;
	s11 =	sor.u32 s15, s24;
	s20 =	sand.u32 $0xFFFFFE00, s20;
	v1 =	vadd.f32 v62, v1  }
0x1c8: {  	(v2sf) =	vpush v2, $0x0;
	s24 =	sand.u32 $0x7F, s19;
	s15 =	sshll.u32 s19, $0x2;
	s20 =	sor.u32 s21, s20;
	v2 =	vadd.f32 v3, v5  }
0x1c9: {  	s11 =	sshra.s32 s11, $0x2;
	s15 =	sand.u32 $0xFFFFFE00, s15;
	s20 =	sshra.s32 s20, $0x2;
	[tilespmem:s29+$0x13E30] =	vst v1  }
0x1ca: {  	v7 =	vld [tilespmem:s26+$0x4BB0];
	s19 =	sshll.u32 s24, $0x2;
	s24 =	sadd.s32 $0x30, s12;
	s20 =	sadd.s32 s3, s20;
	v0 =	vadd.f32 v6, v0;
	[tilespmem:s3+$0x13E00] =	vst v2  }
0x1cb: {  	s11 =	sadd.s32 s3, s11;
	s26 =	sand.u32 $0x7F, s24;
	s12 =	sshll.u32 s24, $0x2;
	v1 =	vld [tilespmem:s20+$0xBE00]  }
0x1cc: {  	s15 =	sor.u32 s19, s15;
	s12 =	sand.u32 $0xFFFFFE00, s12;
	s19 =	sshll.u32 s26, $0x2;
	[tilespmem:s3+$0x13D80] =	vst v0;
	v0 =	vld [tilespmem:s2+$0x4B90]  }
0x1cd: {  	s21 =	sadd.s32 s29, s9;
	s24 =	sand.u32 $0x7F, s23;
	s19 =	sor.u32 s19, s12;
	v2 =	vld [tilespmem:s11+$0xBD80]  }
0x1ce: {  	s15 =	sshra.s32 s15, $0x2;
	s9 =	sshra.s32 s19, $0x2;
	s19 =	sshll.u32 s23, $0x2;
	v3 =	vld [tilespmem:s10+$0x4B90]  }
0x1cf: {  	s19 =	sand.u32 $0xFFFFFE00, s19;
	s11 =	smov.u32 s2;
	v63 =	vld [tilespmem:s21+$0xBD80];
	s2 =	sshll.u32 s24, $0x2  }
0x1d0: {  	s20 =	sadd.s32 s3, s15;
	s2 =	sor.u32 s2, s19;
	s12 =	spop (v2sf)  }
0x1d1: {  	s21 =	rddreg [dreg:$0x4];
	s2 =	sshra.s32 s2, $0x2;
	s15 =	sand.u32 $0x7F, s12;
	v0 =	vadd.f32 v0, v1  }
.Ltmp6:
0x1d2: {  	s26 =	sshll.u32 s12, $0x2;
	s2 =	sadd.s32 s3, s2;
	(pc) =	sbr.rel @p0 .LBB2_15-.Ltmp6, $4  }
0x1d3: {  	s24 =	sand.u32 $0xFFFFFE00, s26;
	s15 =	sshll.u32 s15, $0x2;
	s26 =	sadd.s32 $0x10, s12;
	v2 =	vadd.f32 v3, v2;
	[tilespmem:s3+$0x13E10] =	vst v0  }
0x1d4: {  	s17 =	sadd.s32 s17, s21;
	s15 =	sor.u32 s15, s24;
	s19 =	sand.u32 $0x7F, s26;
	v3 =	vadd.f32 v7, v63;
	v1 =	vld [tilespmem:s2+$0xBE00]  }
0x1d5: {  	s21 =	sshll.u32 s26, $0x2;
	s26 =	sadd.s32 $0x183, s17;
	s24 =	sshra.s32 s15, $0x2;
	[tilespmem:s3+$0x13D90] =	vst v2;
	v2 =	vld [tilespmem:s11+$0x4BA0]  }
0x1d6: {  	s15 =	sadd.s32 $0x182, s17;
	p1 =	slt.u32 s26, $0xC8;
	s2 =	sshll.u32 s26, $0x8;
	v0 =	vld [tilespmem:s20+$0xBD80];
	[tilespmem:s29+$0x13DB0] =	vst v3  }
0x1d7: {  	s13 =	spop (v2sf)  }
0x1d8: {  	s8 =	sadd.s32 $0xFFFF3800, s2;
	s17 =	sand.u32 $0x7F, s13;
	s20 =	sshll.u32 s13, $0x2  }
0x1d9: {  	s7 =	sadd.s32 $0x400, s7;
	s23 =	sand.u32 $0xFFFFFE00, s20;
	s17 =	sshll.u32 s17, $0x2  }
0x1da: {  	s8 =	smov.u32 @p1 s2;
	s7 =	sshra.s32 s7, $0x2;
	s2 =	sor.u32 s17, s23  }
0x1db: {  	s8 =	sshra.s32 s8, $0x2;
	s17 =	sshll.u32 s15, $0x8;
	s2 =	sshra.s32 s2, $0x2  }
0x1dc: {  	p0 =	slt.u32 s15, $0xC8;
	v3 =	vld [tilespmem:s8+$0x4B80];
	s15 =	sadd.s32 $0xFFFF3800, s17;
	s2 =	sadd.s32 s7, s2  }
0x1dd: {  	s24 =	sadd.s32 s7, s24;
	s15 =	smov.u32 @p0 s17;
	v4 =	vld [tilespmem:s2+$0xBE00]  }
0x1de: {  	v5 =	vld [tilespmem:s24+$0xBD80];
	s2 =	sshra.s32 s15, $0x2  }
0x1df: {  	s26 =	sadd.s32 $0x10, s13;
	v6 =	vld [tilespmem:s2+$0x4B80]  }
0x1e0: {  	s29 =	sand.u32 $0x7F, s26;
	s15 =	sshll.u32 s26, $0x2  }
0x1e1: {  	s17 =	sshll.u32 s29, $0x2;
	s15 =	sand.u32 $0xFFFFFE00, s15  }
0x1e2: {  	s15 =	sor.u32 s17, s15;
	v3 =	vadd.f32 v3, v4  }
0x1e3: {  	s19 =	sshll.u32 s19, $0x2;
	s20 =	sand.u32 $0xFFFFFE00, s21;
	s15 =	sshra.s32 s15, $0x2  }
0x1e4: {  	s17 =	sor.u32 s19, s20;
	s15 =	sadd.s32 s7, s15;
	v48 =	vadd.f32 v6, v5;
	[tilespmem:s7+$0x13E00] =	vst v3  }
0x1e5: {  	s17 =	sshra.s32 s17, $0x2;
	v3 =	vld [tilespmem:s15+$0xBE00]  }
0x1e6: {  	s21 =	sadd.s32 s7, s17;
	[tilespmem:s7+$0x13D80] =	vst v48;
	v49 =	vld [tilespmem:s8+$0x4B90]  }
0x1e7: {  	v50 =	vld [tilespmem:s21+$0xBD80]  }
0x1e8: {  	s23 =	sadd.s32 $0x20, s13;
	v51 =	vld [tilespmem:s2+$0x4B90]  }
0x1e9: {  	s24 =	sand.u32 $0x7F, s23;
	s15 =	sshll.u32 s23, $0x2  }
0x1ea: {  	s26 =	sadd.s32 $0x20, s12;
	s17 =	sshll.u32 s24, $0x2;
	s15 =	sand.u32 $0xFFFFFE00, s15  }
0x1eb: {  	s29 =	sand.u32 $0x7F, s26;
	s19 =	sshll.u32 s26, $0x2;
	s15 =	sor.u32 s17, s15;
	v3 =	vadd.f32 v49, v3  }
0x1ec: {  	v52 =	vld [tilespmem:s10+$0x4BA0];
	s19 =	sand.u32 $0xFFFFFE00, s19;
	s17 =	sshll.u32 s29, $0x2;
	s15 =	sshra.s32 s15, $0x2  }
0x1ed: {  	s17 =	sor.u32 s17, s19;
	s15 =	sadd.s32 s7, s15;
	v5 =	vadd.f32 v51, v50;
	[tilespmem:s7+$0x13E10] =	vst v3  }
0x1ee: {  	s17 =	sshra.s32 s17, $0x2;
	v3 =	vld [tilespmem:s15+$0xBE00]  }
0x1ef: {  	s20 =	sadd.s32 $0x30, s25;
	s17 =	sadd.s32 s7, s17;
	[tilespmem:s7+$0x13D90] =	vst v5;
	v53 =	vld [tilespmem:s8+$0x4BA0]  }
0x1f0: {  	s9 =	sadd.s32 s3, s9;
	v1 =	vadd.f32 v2, v1;
	s21 =	sand.u32 $0x7F, s20;
	s19 =	sshll.u32 s20, $0x2;
	v54 =	vld [tilespmem:s17+$0xBD80]  }
0x1f1: {  	s13 =	sadd.s32 $0x30, s13;
	v0 =	vadd.f32 v52, v0;
	s19 =	sand.u32 $0xFFFFFE00, s19;
	s15 =	sshll.u32 s21, $0x2;
	v55 =	vld [tilespmem:s2+$0x4BA0]  }
0x1f2: {  	[tilespmem:s3+$0x13E20] =	vst v1;
	s23 =	sand.u32 $0x7F, s13;
	s13 =	sshll.u32 s13, $0x2;
	s15 =	sor.u32 s15, s19  }
0x1f3: {  	v56 =	vld [tilespmem:s11+$0x4BB0];
	[tilespmem:s3+$0x13DA0] =	vst v0;
	s13 =	sand.u32 $0xFFFFFE00, s13;
	s25 =	sshll.u32 s23, $0x2;
	s15 =	sshra.s32 s15, $0x2  }
0x1f4: {  	v58 =	vld [tilespmem:s10+$0x4BB0];
	s24 =	sadd.s32 $0x30, s12;
	s26 =	sor.u32 s25, s13;
	s15 =	sadd.s32 s3, s15;
	v57 =	vadd.f32 v53, v3  }
0x1f5: {  	s29 =	sand.u32 $0x7F, s24;
	s11 =	sshra.s32 s26, $0x2;
	v1 =	vld [tilespmem:s15+$0xBE00];
	s15 =	sshll.u32 s24, $0x2  }
0x1f6: {  	v59 =	vld [tilespmem:s9+$0xBD80];
	s11 =	sadd.s32 s7, s11;
	s19 =	sshll.u32 s29, $0x2;
	s17 =	sand.u32 $0xFFFFFE00, s15;
	v60 =	vadd.f32 v55, v54;
	[tilespmem:s7+$0x13E20] =	vst v57  }
0x1f7: {  	s9 =	sor.u32 s19, s17;
	v61 =	vld [tilespmem:s11+$0xBE00]  }
0x1f8: {  	s20 =	sshra.s32 s9, $0x2;
	v62 =	vld [tilespmem:s8+$0x4BB0];
	[tilespmem:s7+$0x13DA0] =	vst v60  }
0x1f9: {  	s21 =	sadd.s32 s7, s20;
	v0 =	vld [tilespmem:s2+$0x4BB0]  }
0x1fa: {  	v7 =	vld [tilespmem:s21+$0xBD80];
	_ =	sdelay $0x1  }
0x1fb: {  	v3 =	vadd.f32 v58, v59  }
0x1fc: {  	v1 =	vadd.f32 v56, v1  }
0x1fd: {  	s16 =	sadd.s32 $0x1, s16;
	s30 =	sadd.s32 $0x100, s30;
	s31 =	sadd.s32 $0x100, s31;
	[tilespmem:s3+$0x13DB0] =	vst v3;
	v63 =	vadd.f32 v62, v61  }
0x1fe: {  	s0 =	sadd.s32 $0x100, s0;
	p0 =	sne.s32 s16, $0x17;
	s23 =	sadd.s32 s4, s18;
	[tilespmem:s3+$0x13E30] =	vst v1;
	v0 =	vadd.f32 v0, v7  }
.Ltmp7:
0x1ff: {  	s1 =	sadd.s32 $0x100, s1;
	s2 =	sshll.u32 s23, $0x4;
	[tilespmem:s7+$0x13E30] =	vst v63;
	(pc) =	sbr.rel @p0 .LBB2_12-.Ltmp7, $4  }
0x200: {  	s14 =	sadd.s32 $0x100, s14;
	s24 =	simm.s32 $0x13D80;
	s2 =	sadd.s32 s6, s2;
	[tilespmem:s7+$0x13DB0] =	vst v0  }
0x201: {  	[hbm4b:s2+s28] =	stream.linear.scatter [tilespmem:s24], [sflag:$0x4], $0x4000, $0x38;
	[tilespmem:$0x17D80] =	vst v63  }
0x202: {  	s25 =	sadd.s32 $0x1B80, s22;
	s26 =	simm.s32 $0x80;
	s29 =	simm.s32 $0xBD80  }
0x203: {  	[tilespmem:s29], [sflag:$0x2] =	stream.indirect.gather [hbm4b:s5+s26], $0x80, s25, s26, $0xb8;
	[tilespmem:$0x17D80] =	vst v63  }
0x204: {  	s0 =	simm.s32 $0x1  }
0x205: {  	_ =	swait.ge [sflag:s0], $0x4000  }
0x206: {  	[sflag:s0] =	ssyncset.done $0x0  }
0x207: {  	s17 =	simm.s32 $0x3;
	[sflag:s0] =	ssyncadd.s32 $0xFFFFC000  }
0x208: {  	_ =	swait.ge [sflag:s17], $0x4000  }
0x209: {  	[sflag:s17] =	ssyncset.done $0x0  }
0x20a: {  	s18 =	simm.s32 $0x4A01;
	[sflag:s17] =	ssyncadd.s32 $0xFFFFC000  }
0x20b: {  	v0 =	vld [tilespmem:s18+$0xFFFFFFFF];
	_ =	sdelay $0x1  }
0x20c: {  	v1 =	vld [tilespmem:s18+$0x0];
	_ =	sdelay $0x2  }
0x20d: {  	(v2sf) =	vpush v0, $0x0;
	_ =	sdelay $0x1  }
0x20e: {  	(v2sf) =	vpush v1, $0x0;
	_ =	sdelay $0x8  }
0x20f: {  	s10 =	simm.s32 $0x2;
	p0 =	por $0x1, $0x1;
	s2 =	rddreg [dreg:$0x6]  }
0x210: {  	s7 =	simm.s32 $0x4A03;
	p1 =	por $0x1, $0x1;
	s1 =	rddreg [dreg:$0x5]  }
0x211: {  	s0 =	simm.s32 $0x0;
	s1 =	simm.s32 @!p1 $0xFFFFC8;
	s2 =	simm.s32 @!p0 $0xFFFFFFC9  }
0x212: {  	p0 =	por $0x1, $0x1;
	p1 =	por $0x1, $0x1;
	s1 =	sadd.s32 $0x0, s1  }
0x213: {  	s2 =	sadd.s32 $0x0, s2;
	s1 =	sshll.u32 s1, $0x8;
	s3 =	spop (v2sf)  }
0x214: {  	s2 =	sshll.u32 s2, $0x6;
	s1 =	sshra.s32 s1, $0x2;
	s8 =	sand.u32 $0x7F, s3  }
0x215: {  	s9 =	sadd.s32 $0x20, s3;
	s11 =	spop (v2sf);
	s12 =	sshll.u32 s3, $0x2  }
0x216: {  	s15 =	sadd.s32 $0x10, s3;
	s3 =	sadd.s32 $0x30, s3;
	s8 =	sshll.u32 s8, $0x2  }
0x217: {  	s13 =	sand.u32 $0x7F, s9;
	s12 =	sand.u32 $0xFFFFFE00, s12;
	s14 =	sshll.u32 s11, $0x2  }
0x218: {  	v0 =	vld [tilespmem:s7+$0xFFFFFFFF];
	s19 =	sand.u32 $0x7F, s11;
	s16 =	sand.u32 $0x7F, s15;
	s15 =	sshll.u32 s15, $0x2  }
0x219: {  	s9 =	sshll.u32 s9, $0x2;
	s18 =	sadd.s32 $0x10, s11;
	s21 =	sadd.s32 $0x20, s11  }
0x21a: {  	v1 =	vld [tilespmem:s7+$0x0];
	s26 =	sand.u32 $0x7F, s3;
	s3 =	sshll.u32 s3, $0x2;
	s8 =	sor.u32 s8, s12  }
0x21b: {  	s14 =	sand.u32 $0xFFFFFE00, s14;
	s13 =	sshll.u32 s13, $0x2;
	s12 =	sshll.u32 s19, $0x2  }
0x21c: {  	s15 =	sand.u32 $0xFFFFFE00, s15;
	s16 =	sshll.u32 s16, $0x2;
	s9 =	sand.u32 $0xFFFFFE00, s9  }
0x21d: {  	(v2sf) =	vpush v0, $0x0;
	s22 =	sand.u32 $0x7F, s21;
	s19 =	sadd.s32 $0x30, s11;
	s3 =	sand.u32 $0xFFFFFE00, s3  }
0x21e: {  	s8 =	sshra.s32 s8, $0x2;
	s15 =	sor.u32 s16, s15;
	s9 =	sor.u32 s13, s9  }
0x21f: {  	(v2sf) =	vpush v1, $0x0;
	s12 =	sor.u32 s12, s14;
	s24 =	sshll.u32 s22, $0x2;
	s16 =	sshll.u32 s26, $0x2  }
0x220: {  	v1 =	vld [tilespmem:s1+$0x4B80];
	s13 =	rddreg [dreg:$0x6];
	s20 =	sadd.s32 $0x0, s8;
	s15 =	sshra.s32 s15, $0x2  }
0x221: {  	s8 =	sshll.u32 s21, $0x2;
	s9 =	sshra.s32 s9, $0x2;
	s23 =	sshra.s32 s12, $0x2;
	v0 =	vld [tilespmem:s20+$0x7D80]  }
0x222: {  	s21 =	sshll.u32 s18, $0x2;
	s3 =	sor.u32 s16, s3;
	s16 =	simm.s32 $0x100  }
0x223: {  	v2 =	vld [tilespmem:s2+$0x4B80];
	s12 =	simm.s32 $0x4A05;
	s17 =	sadd.s32 $0x0, s9;
	s9 =	sadd.s32 $0x0, s23  }
0x224: {  	s15 =	sadd.s32 $0x0, s15;
	s8 =	sand.u32 $0xFFFFFE00, s8;
	s20 =	sand.u32 $0x7F, s18;
	v3 =	vld [tilespmem:s9+$0x7E00]  }
0x225: {  	s22 =	sand.u32 $0xFFFFFE00, s21;
	s23 =	sshll.u32 s19, $0x2;
	s3 =	sshra.s32 s3, $0x2  }
0x226: {  	s18 =	sor.u32 $0x60, s2;
	s25 =	sor.u32 s24, s8;
	s8 =	sand.u32 $0x7F, s19;
	v0 =	vadd.f32 v1, v0  }
0x227: {  	s11 =	sshll.u32 s20, $0x2;
	s9 =	sand.u32 $0xFFFFFE00, s23;
	s28 =	sshra.s32 s25, $0x2  }
0x228: {  	s8 =	sshll.u32 s8, $0x2;
	s7 =	sor.u32 s11, s22;
	s11 =	simm.s32 $0x4;
	[tilespmem:s0+$0xFD80] =	vst v0  }
0x229: {  	s8 =	sor.u32 s8, s9;
	s9 =	sadd.s32 $0x0, s3;
	s24 =	sshra.s32 s7, $0x2;
	v0 =	vadd.f32 v2, v3;
	v1 =	vld [tilespmem:s15+$0x7D80]  }
0x22a: {  	s3 =	sor.u32 $0x70, s2;
	s2 =	sor.u32 $0x50, s2;
	s25 =	sshra.s32 s8, $0x2;
	v2 =	vld [tilespmem:s1+$0x4B90]  }
0x22b: {  	s19 =	sadd.s32 $0x0, s24;
	s8 =	simm.s32 $0x400;
	s7 =	sadd.s32 $0x0, s25;
	[tilespmem:s0+$0xFE00] =	vst v0  }
0x22c: {  	s25 =	sadd.s32 $0x0, s28;
	s15 =	rddreg [dreg:$0x5];
	s22 =	spop (v2sf);
	v3 =	vld [tilespmem:s19+$0x7E00]  }
0x22d: {  	s15 =	simm.s32 @!p1 $0xFFFFC8;
	s20 =	sand.u32 $0x7F, s22;
	s19 =	sadd.s32 $0x20, s22;
	v4 =	vld [tilespmem:s2+$0x4B80]  }
0x22e: {  	s14 =	spop (v2sf);
	s26 =	sshll.u32 s22, $0x2;
	s30 =	sadd.s32 $0x2, s15  }
0x22f: {  	s20 =	sshll.u32 s20, $0x2;
	s23 =	sand.u32 $0x7F, s19;
	s2 =	sand.u32 $0xFFFFFE00, s26;
	v0 =	vadd.f32 v2, v1  }
0x230: {  	s21 =	sshll.u32 s14, $0x2;
	s28 =	sand.u32 $0x7F, s14;
	s2 =	sor.u32 s20, s2  }
0x231: {  	s29 =	sand.u32 $0xFFFFFE00, s21;
	s21 =	sadd.s32 $0x10, s22;
	s24 =	sshll.u32 s23, $0x2;
	[tilespmem:s0+$0xFD90] =	vst v0  }
0x232: {  	s31 =	sshll.u32 s28, $0x2;
	s15 =	sshra.s32 s2, $0x2;
	s2 =	sadd.s32 $0x10, s14;
	v1 =	vadd.f32 v4, v3;
	v0 =	vld [tilespmem:s17+$0x7D80]  }
.LBB2_18:
0x233: {  	s17 =	sand.u32 $0x7F, s21;
	s20 =	sshll.u32 s21, $0x2  }
0x234: {  	s23 =	sshll.u32 s19, $0x2;
	s21 =	smov.u32 s11;
	s19 =	smov.u32 s0  }
0x235: {  	s0 =	smov.u32 s16;
	s13 =	simm.s32 @!p0 $0xFFFFFFC9;
	s22 =	sadd.s32 $0x30, s22  }
0x236: {  	p1 =	slt.u32 s11, $0x7E;
	s11 =	sadd.s32 $0x2, s11;
	s26 =	sand.u32 $0xFFFFFE00, s20;
	[tilespmem:s19+$0xFE10] =	vst v1;
	v1 =	vld [tilespmem:s12+$0xFFFFFFFF]  }
0x237: {  	v2 =	vld [tilespmem:s1+$0x4BA0];
	s17 =	sshll.u32 s17, $0x2;
	s28 =	sand.u32 $0xFFFFFE00, s23;
	s23 =	sadd.s32 s0, s15  }
0x238: {  	s16 =	sor.u32 s17, s26;
	s17 =	sadd.s32 $0x20, s14;
	v3 =	vld [tilespmem:s12+$0x0];
	s24 =	sor.u32 s24, s28  }
0x239: {  	v4 =	vld [tilespmem:s25+$0x7E00];
	s25 =	sshll.u32 s30, $0x8;
	s28 =	sor.u32 s31, s29;
	s15 =	sshra.s32 s16, $0x2  }
0x23a: {  	v5 =	vld [tilespmem:s18+$0x4B80];
	s26 =	sand.u32 $0x7F, s17;
	s16 =	sshll.u32 s17, $0x2;
	s17 =	sshra.s32 s24, $0x2  }
0x23b: {  	s24 =	sshra.s32 s28, $0x2;
	s20 =	sand.u32 $0xFFFFFE00, s16;
	s16 =	sshra.s32 s25, $0x2;
	(v2sf) =	vpush v1, $0x0  }
0x23c: {  	s8 =	sadd.s32 $0x400, s8;
	s10 =	sadd.s32 s10, s13;
	s18 =	sadd.s32 s0, s24;
	v0 =	vadd.f32 v2, v0;
	v2 =	vld [tilespmem:s16+$0x4B80]  }
0x23d: {  	s13 =	sadd.s32 $0x30, s14;
	s12 =	sadd.s32 $0x2, s12;
	s28 =	sand.u32 $0x7F, s22;
	v6 =	vld [tilespmem:s18+$0x7E00];
	(v2sf) =	vpush v3, $0x0  }
0x23e: {  	s22 =	sshll.u32 s22, $0x2;
	s15 =	sadd.s32 s0, s15;
	s25 =	sshll.u32 s26, $0x2;
	v1 =	vld [tilespmem:s23+$0x7D80];
	[tilespmem:s19+$0xFDA0] =	vst v0  }
0x23f: {  	s26 =	sor.u32 s25, s20;
	s25 =	sshll.u32 s28, $0x2;
	s28 =	sshll.u32 s2, $0x2;
	v4 =	vadd.f32 v5, v4;
	v0 =	vld [tilespmem:s9+$0x7D80]  }
0x240: {  	s23 =	sshll.u32 s10, $0x6;
	s24 =	sshra.s32 s26, $0x2;
	s26 =	sand.u32 $0x7F, s2;
	v62 =	vld [tilespmem:s1+$0x4BB0]  }
0x241: {  	s17 =	sadd.s32 s0, s17;
	s2 =	sand.u32 $0xFFFFFE00, s28;
	v3 =	vld [tilespmem:s23+$0x4B80];
	s20 =	sshll.u32 s26, $0x2;
	[tilespmem:s19+$0xFE20] =	vst v4  }
0x242: {  	s26 =	sand.u32 $0x7F, s13;
	s9 =	sand.u32 $0xFFFFFE00, s22;
	s2 =	sor.u32 s20, s2;
	v4 =	vld [tilespmem:s7+$0x7E00]  }
0x243: {  	s22 =	sshll.u32 s13, $0x2;
	s13 =	rddreg [dreg:$0x6];
	s20 =	sor.u32 $0x50, s23;
	v1 =	vadd.f32 v2, v1;
	v2 =	vld [tilespmem:s3+$0x4B80]  }
0x244: {  	s10 =	sor.u32 s25, s9;
	s25 =	sshra.s32 s2, $0x2;
	s18 =	sand.u32 $0xFFFFFE00, s22  }
0x245: {  	s2 =	sshll.u32 s26, $0x2;
	s1 =	sshra.s32 s10, $0x2;
	s28 =	sadd.s32 s0, s25;
	v0 =	vadd.f32 v62, v0  }
0x246: {  	s10 =	smov.u32 s21;
	s9 =	sadd.s32 s0, s1;
	s1 =	sor.u32 s2, s18;
	[tilespmem:s0+$0xFD80] =	vst v1;
	v1 =	vadd.f32 v3, v6  }
0x247: {  	s25 =	sadd.s32 s0, s24;
	s2 =	sshra.s32 s1, $0x2;
	s1 =	smov.u32 s16;
	v3 =	vld [tilespmem:s15+$0x7D80];
	[tilespmem:s19+$0xFDB0] =	vst v0  }
0x248: {  	s18 =	sor.u32 $0x60, s23;
	s3 =	sor.u32 $0x70, s23;
	p0 =	slt.u32 s10, $0x37;
	[tilespmem:s0+$0xFE00] =	vst v1;
	v0 =	vadd.f32 v2, v4;
	v1 =	vld [tilespmem:s1+$0x4B90]  }
0x249: {  	p2 =	slt.u32 s10, $0x38;
	s16 =	sshra.s32 s8, $0x2;
	s15 =	rddreg [dreg:$0x5]  }
0x24a: {  	s7 =	sadd.s32 s0, s2;
	s15 =	simm.s32 @!p2 $0xFFFFC8;
	v2 =	vld [tilespmem:s28+$0x7E00];
	[tilespmem:s19+$0xFE30] =	vst v0;
	s22 =	spop (v2sf)  }
0x24b: {  	s30 =	sadd.s32 s10, s15;
	v63 =	vld [tilespmem:s20+$0x4B80];
	s21 =	sand.u32 $0x7F, s22;
	s19 =	sadd.s32 $0x20, s22  }
.Ltmp8:
0x24c: {  	s14 =	spop (v2sf);
	s23 =	sshll.u32 s22, $0x2;
	(pc) =	sbr.rel @p1 .LBB2_18-.Ltmp8, $4  }
0x24d: {  	v0 =	vadd.f32 v1, v3;
	s20 =	sshll.u32 s21, $0x2;
	s24 =	sand.u32 $0x7F, s19;
	s2 =	sand.u32 $0xFFFFFE00, s23  }
0x24e: {  	s26 =	sshll.u32 s14, $0x2;
	s28 =	sand.u32 $0x7F, s14;
	s21 =	sadd.s32 $0x10, s22  }
0x24f: {  	[tilespmem:s0+$0xFD90] =	vst v0;
	s2 =	sor.u32 s20, s2;
	s29 =	sand.u32 $0xFFFFFE00, s26;
	s24 =	sshll.u32 s24, $0x2  }
0x250: {  	s31 =	sshll.u32 s28, $0x2;
	v0 =	vld [tilespmem:s17+$0x7D80];
	v1 =	vadd.f32 v63, v2;
	s15 =	sshra.s32 s2, $0x2;
	s2 =	sadd.s32 $0x10, s14  }
0x251: {  	s11 =	sadd.s32 s16, s15;
	s8 =	sshll.u32 s30, $0x8;
	s13 =	simm.s32 @!p0 $0xFFFFFFC9  }
0x252: {  	s12 =	sor.u32 s31, s29;
	s8 =	sshra.s32 s8, $0x2;
	v2 =	vld [tilespmem:s11+$0x7D80];
	s10 =	sadd.s32 s10, s13  }
0x253: {  	s12 =	sshra.s32 s12, $0x2;
	v3 =	vld [tilespmem:s8+$0x4B80];
	s10 =	sshll.u32 s10, $0x6  }
0x254: {  	s11 =	sadd.s32 s16, s12;
	v4 =	vld [tilespmem:s10+$0x4B80]  }
0x255: {  	v5 =	vld [tilespmem:s11+$0x7E00]  }
0x256: {  	s15 =	sshll.u32 s21, $0x2;
	s13 =	sand.u32 $0x7F, s21  }
0x257: {  	s12 =	sand.u32 $0xFFFFFE00, s15;
	s11 =	sshll.u32 s13, $0x2  }
0x258: {  	s17 =	sand.u32 $0x7F, s2;
	s20 =	sshll.u32 s2, $0x2;
	s11 =	sor.u32 s11, s12;
	v2 =	vadd.f32 v3, v2  }
0x259: {  	s2 =	sand.u32 $0xFFFFFE00, s20;
	s12 =	sshll.u32 s17, $0x2;
	s11 =	sshra.s32 s11, $0x2  }
0x25a: {  	s2 =	sor.u32 s12, s2;
	s11 =	sadd.s32 s16, s11;
	[tilespmem:s16+$0xFD80] =	vst v2;
	v2 =	vadd.f32 v4, v5  }
0x25b: {  	s2 =	sshra.s32 s2, $0x2;
	v3 =	vld [tilespmem:s11+$0x7D80]  }
0x25c: {  	s2 =	sadd.s32 s16, s2;
	[tilespmem:s16+$0xFE00] =	vst v2;
	v2 =	vld [tilespmem:s8+$0x4B90]  }
0x25d: {  	s21 =	sor.u32 $0x50, s10;
	v55 =	vld [tilespmem:s2+$0x7E00]  }
0x25e: {  	v56 =	vld [tilespmem:s21+$0x4B80]  }
0x25f: {  	s23 =	sshll.u32 s19, $0x2  }
0x260: {  	s26 =	sadd.s32 $0x20, s14;
	s2 =	sand.u32 $0xFFFFFE00, s23  }
0x261: {  	v6 =	vld [tilespmem:s1+$0x4BA0];
	[tilespmem:s0+$0xFE10] =	vst v1;
	s28 =	sand.u32 $0x7F, s26;
	s11 =	sshll.u32 s26, $0x2;
	s2 =	sor.u32 s24, s2;
	v1 =	vadd.f32 v2, v3  }
0x262: {  	s12 =	sshll.u32 s28, $0x2;
	s11 =	sand.u32 $0xFFFFFE00, s11;
	s2 =	sshra.s32 s2, $0x2;
	v2 =	vld [tilespmem:s25+$0x7E00]  }
0x263: {  	s11 =	sor.u32 s12, s11;
	s2 =	sadd.s32 s16, s2;
	v3 =	vld [tilespmem:s18+$0x4B80];
	[tilespmem:s16+$0xFD90] =	vst v1;
	v1 =	vadd.f32 v56, v55  }
0x264: {  	s11 =	sshra.s32 s11, $0x2;
	v57 =	vld [tilespmem:s2+$0x7D80]  }
0x265: {  	s29 =	sadd.s32 s16, s11;
	v58 =	vld [tilespmem:s8+$0x4BA0];
	[tilespmem:s16+$0xFE10] =	vst v1  }
0x266: {  	s30 =	sor.u32 $0x60, s10;
	v0 =	vadd.f32 v6, v0;
	v1 =	vld [tilespmem:s29+$0x7E00]  }
0x267: {  	s31 =	sadd.s32 $0x30, s22;
	v59 =	vld [tilespmem:s30+$0x4B80]  }
0x268: {  	[tilespmem:s0+$0xFDA0] =	vst v0;
	s12 =	sand.u32 $0x7F, s31;
	s2 =	sshll.u32 s31, $0x2;
	v0 =	vadd.f32 v3, v2  }
0x269: {  	s14 =	sadd.s32 $0x30, s14;
	s13 =	sshll.u32 s12, $0x2;
	s2 =	sand.u32 $0xFFFFFE00, s2;
	v2 =	vld [tilespmem:s9+$0x7D80]  }
0x26a: {  	s17 =	sshll.u32 s14, $0x2;
	s18 =	sand.u32 $0x7F, s14;
	v3 =	vld [tilespmem:s1+$0x4BB0];
	s15 =	sor.u32 s13, s2;
	[tilespmem:s0+$0xFE20] =	vst v0;
	v0 =	vadd.f32 v58, v57  }
0x26b: {  	s19 =	sshll.u32 s18, $0x2;
	s2 =	sand.u32 $0xFFFFFE00, s17;
	s1 =	sshra.s32 s15, $0x2;
	v60 =	vld [tilespmem:s7+$0x7E00]  }
0x26c: {  	s2 =	sor.u32 s19, s2;
	s1 =	sadd.s32 s16, s1;
	v61 =	vld [tilespmem:s3+$0x4B80];
	[tilespmem:s16+$0xFDA0] =	vst v0;
	v0 =	vadd.f32 v59, v1  }
0x26d: {  	s2 =	sshra.s32 s2, $0x2;
	v1 =	vld [tilespmem:s1+$0x7D80]  }
0x26e: {  	s20 =	sadd.s32 s16, s2;
	v62 =	vld [tilespmem:s8+$0x4BB0];
	[tilespmem:s16+$0xFE20] =	vst v0  }
0x26f: {  	s21 =	sor.u32 $0x70, s10;
	v0 =	vld [tilespmem:s20+$0x7E00]  }
0x270: {  	v7 =	vld [tilespmem:s21+$0x4B80];
	_ =	sdelay $0x1  }
0x271: {  	v2 =	vadd.f32 v3, v2  }
0x272: {  	v3 =	vadd.f32 v61, v60  }
0x273: {  	[tilespmem:s0+$0xFDB0] =	vst v2;
	v1 =	vadd.f32 v62, v1  }
0x274: {  	[tilespmem:s0+$0xFE30] =	vst v3;
	v0 =	vadd.f32 v7, v0  }
0x275: {  	[tilespmem:s16+$0xFDB0] =	vst v1  }
0x276: {  	s22 =	simm.s32 $0x0;
	[tilespmem:s16+$0xFE30] =	vst v0  }
0x277: {  	s24 =	simm.s32 $0xFD80;
	s25 =	simm.s32 $0x2;
	s23 =	rddreg [dreg:$0xb]  }
0x278: {  	[hbm4b:s23+s22] =	stream.linear.scatter [tilespmem:s24], [sflag:$0x3], $0x4000, $0x38;
	[tilespmem:$0x17D80] =	vst v63  }
0x279: {  	_ =	swait.ge [sflag:s25], $0x4000  }
0x27a: {  	[sflag:s25] =	ssyncset.done $0x0  }
0x27b: {  	s26 =	simm.s32 $0x4;
	[sflag:s25] =	ssyncadd.s32 $0xFFFFC000  }
0x27c: {  	_ =	swait.ge [sflag:s26], $0x4000  }
0x27d: {  	[sflag:s26] =	ssyncset.done $0x0  }
0x27e: {  	s28 =	simm.s32 $0x4A81;
	[sflag:s26] =	ssyncadd.s32 $0xFFFFC000  }
0x27f: {  	v0 =	vld [tilespmem:s28+$0xFFFFFFFF]  }
0x280: {  	v1 =	vld [tilespmem:s28+$0x0];
	_ =	sdelay $0x3  }
0x281: {  	(v2sf) =	vpush v0, $0x0  }
0x282: {  	(v2sf) =	vpush v1, $0x0;
	_ =	sdelay $0xd  }
0x283: {  	s29 =	spop (v2sf)  }
0x284: {  	s30 =	simm.s32 $0x4A83;
	s2 =	spop (v2sf)  }
0x285: {  	v0 =	vld [tilespmem:s30+$0xFFFFFFFF];
	s31 =	sand.u32 $0x7F, s2;
	s8 =	sshll.u32 s2, $0x2  }
0x286: {  	s9 =	sand.u32 $0xFFFFFE00, s8;
	s1 =	sshll.u32 s31, $0x2  }
0x287: {  	s3 =	simm.s32 $0x5DC0;
	s1 =	sor.u32 s1, s9  }
0x288: {  	v2 =	vld [tilespmem:s30+$0x0];
	s10 =	sand.u32 $0x7F, s29;
	s11 =	sshll.u32 s29, $0x2;
	s1 =	sshra.s32 s1, $0x2  }
0x289: {  	v1 =	vld [tilespmem:s3+$0x0];
	s8 =	sshll.u32 s10, $0x2;
	s9 =	sand.u32 $0xFFFFFE00, s11;
	s12 =	sadd.s32 $0x0, s1  }
0x28a: {  	(v2sf) =	vpush v0, $0x0;
	s8 =	sor.u32 s8, s9;
	v0 =	vld [tilespmem:s12+$0xBE00]  }
0x28b: {  	s0 =	simm.s32 $0x0;
	s13 =	sadd.s32 $0x10, s29;
	s8 =	sshra.s32 s8, $0x2  }
0x28c: {  	v3 =	vld [tilespmem:s3+$0xFFFFFFC0];
	s17 =	sadd.s32 $0x20, s29;
	s14 =	sadd.s32 $0x10, s2;
	s8 =	sadd.s32 $0x0, s8  }
0x28d: {  	s7 =	sadd.s32 $0x30, s29;
	s16 =	sand.u32 $0x7F, s14;
	s10 =	sshll.u32 s14, $0x2;
	v63 =	vld [tilespmem:s8+$0xBD80]  }
0x28e: {  	(v2sf) =	vpush v2, $0x0;
	s15 =	sand.u32 $0x7F, s13;
	s10 =	sand.u32 $0xFFFFFE00, s10;
	s8 =	sshll.u32 s16, $0x2  }
0x28f: {  	s18 =	sand.u32 $0x7F, s17;
	s22 =	sand.u32 $0x7F, s7;
	s8 =	sor.u32 s8, s10;
	v0 =	vadd.f32 v1, v0  }
0x290: {  	s11 =	sshll.u32 s15, $0x2;
	s9 =	sshll.u32 s13, $0x2;
	s8 =	sshra.s32 s8, $0x2  }
0x291: {  	s1 =	simm.s32 $0x1240;
	s9 =	sand.u32 $0xFFFFFE00, s9;
	s8 =	sadd.s32 $0x0, s8;
	[tilespmem:s0+$0x13E00] =	vst v0  }
0x292: {  	s7 =	sshll.u32 s7, $0x2;
	s9 =	sor.u32 s11, s9;
	s19 =	sor.u32 $0x50, s1;
	v0 =	vadd.f32 v3, v63;
	v1 =	vld [tilespmem:s8+$0xBE00]  }
0x293: {  	s24 =	sadd.s32 $0x20, s2;
	s2 =	sadd.s32 $0x30, s2;
	s9 =	sshra.s32 s9, $0x2;
	v2 =	vld [tilespmem:s19+$0x4B80]  }
0x294: {  	s7 =	sand.u32 $0xFFFFFE00, s7;
	s25 =	sand.u32 $0x7F, s24;
	s20 =	sadd.s32 $0x0, s9;
	[tilespmem:s0+$0x13D80] =	vst v0  }
0x295: {  	s13 =	simm.s32 $0x4A85;
	s12 =	simm.s32 $0x2;
	s10 =	sshll.u32 s17, $0x2;
	v0 =	vld [tilespmem:s20+$0xBD80]  }
0x296: {  	s11 =	sshll.u32 s18, $0x2;
	s9 =	sshll.u32 s24, $0x2;
	s10 =	sand.u32 $0xFFFFFE00, s10;
	v3 =	vld [tilespmem:s3+$0xFFFFFFD0]  }
0x297: {  	s9 =	sand.u32 $0xFFFFFE00, s9;
	s21 =	sor.u32 s11, s10;
	s11 =	sshll.u32 s25, $0x2  }
0x298: {  	s31 =	sor.u32 $0x60, s1;
	s10 =	sshll.u32 s22, $0x2;
	s26 =	sor.u32 s11, s9;
	v1 =	vadd.f32 v2, v1  }
0x299: {  	s23 =	sshra.s32 s21, $0x2;
	s7 =	sor.u32 s10, s7;
	s28 =	sshra.s32 s26, $0x2  }
0x29a: {  	s9 =	sshra.s32 s7, $0x2;
	s7 =	sadd.s32 $0x0, s28;
	s10 =	spop (v2sf);
	[tilespmem:s0+$0x13E10] =	vst v1  }
0x29b: {  	s14 =	sadd.s32 $0x0, s23;
	s29 =	sand.u32 $0x7F, s10;
	s30 =	sshll.u32 s10, $0x2;
	v3 =	vadd.f32 v3, v0;
	v0 =	vld [tilespmem:s7+$0xBE00]  }
0x29c: {  	s11 =	sand.u32 $0xFFFFFE00, s30;
	s8 =	sshll.u32 s29, $0x2;
	v2 =	vld [tilespmem:s31+$0x4B80];
	s7 =	simm.s32 $0x5E40  }
0x29d: {  	s15 =	sor.u32 s8, s11;
	s8 =	simm.s32 $0x400;
	s11 =	spop (v2sf);
	v1 =	vld [tilespmem:s7+$0xFFFFFFC0];
	[tilespmem:s0+$0x13D90] =	vst v3  }
.LBB2_20:
0x29e: {  	s17 =	sand.u32 $0x7F, s11;
	s18 =	sshll.u32 s11, $0x2  }
0x29f: {  	v3 =	vld [tilespmem:s13+$0xFFFFFFFF];
	s19 =	sand.u32 $0x7F, s2;
	s16 =	smov.u32 s0;
	s2 =	sshll.u32 s2, $0x2  }
0x2a0: {  	s15 =	sshra.s32 s15, $0x2;
	s0 =	sand.u32 $0xFFFFFE00, s18;
	s17 =	sshll.u32 s17, $0x2;
	v4 =	vld [tilespmem:s14+$0xBD80]  }
0x2a1: {  	s2 =	sand.u32 $0xFFFFFE00, s2;
	s14 =	sor.u32 s17, s0;
	v5 =	vld [tilespmem:s3+$0xFFFFFFE0];
	s17 =	sshll.u32 s19, $0x2  }
0x2a2: {  	s0 =	sshra.s32 s8, $0x2;
	s14 =	sshra.s32 s14, $0x2;
	v6 =	vld [tilespmem:s7+$0x0];
	v0 =	vadd.f32 v2, v0;
	s2 =	sor.u32 s17, s2  }
0x2a3: {  	s12 =	sadd.s32 $0x2, s12;
	v2 =	vld [tilespmem:s13+$0x0];
	s14 =	sadd.s32 s0, s14;
	s2 =	sshra.s32 s2, $0x2  }
0x2a4: {  	s15 =	sadd.s32 s0, s15;
	s17 =	sadd.s32 $0x10, s10;
	(v2sf) =	vpush v3, $0x0;
	v3 =	vld [tilespmem:s14+$0xBE00];
	[tilespmem:s16+$0x13E20] =	vst v0;
	s2 =	sadd.s32 s16, s2  }
0x2a5: {  	s14 =	sand.u32 $0x7F, s17;
	s17 =	sshll.u32 s17, $0x2;
	v0 =	vld [tilespmem:s2+$0xBE00];
	s2 =	sor.u32 $0x70, s1  }
0x2a6: {  	s18 =	sadd.s32 $0x10, s11;
	p0 =	slt.u32 s12, $0x7E;
	s17 =	sand.u32 $0xFFFFFE00, s17;
	v4 =	vadd.f32 v5, v4;
	v5 =	vld [tilespmem:s2+$0x4B80]  }
0x2a7: {  	s14 =	sshll.u32 s14, $0x2;
	s2 =	sand.u32 $0x7F, s18;
	v7 =	vld [tilespmem:s15+$0xBD80];
	s15 =	sshll.u32 s18, $0x2  }
0x2a8: {  	s1 =	sadd.s32 $0x80, s1;
	s2 =	sshll.u32 s2, $0x2;
	(v2sf) =	vpush v2, $0x0;
	s15 =	sand.u32 $0xFFFFFE00, s15;
	[tilespmem:s16+$0x13DA0] =	vst v4  }
0x2a9: {  	s14 =	sor.u32 s14, s17;
	s17 =	sadd.s32 $0x20, s10;
	v2 =	vadd.f32 v6, v3;
	s2 =	sor.u32 s2, s15;
	v3 =	vld [tilespmem:s3+$0xFFFFFFF0]  }
0x2aa: {  	s3 =	sshra.s32 s14, $0x2;
	s14 =	sand.u32 $0x7F, s17;
	s2 =	sshra.s32 s2, $0x2  }
0x2ab: {  	s15 =	sshll.u32 s17, $0x2;
	s3 =	sadd.s32 s0, s3;
	[tilespmem:s0+$0x13E00] =	vst v2;
	s2 =	sadd.s32 s0, s2;
	v0 =	vadd.f32 v5, v0  }
0x2ac: {  	s14 =	sshll.u32 s14, $0x2;
	s15 =	sand.u32 $0xFFFFFE00, s15;
	v1 =	vadd.f32 v1, v7;
	v2 =	vld [tilespmem:s2+$0xBE00];
	s2 =	sor.u32 $0x50, s1  }
0x2ad: {  	s10 =	sadd.s32 $0x30, s10;
	v4 =	vld [tilespmem:s2+$0x4B80];
	s2 =	sadd.s32 s16, s9;
	[tilespmem:s16+$0x13E30] =	vst v0;
	s9 =	sor.u32 s14, s15  }
0x2ae: {  	s15 =	sand.u32 $0x7F, s10;
	s10 =	sshll.u32 s10, $0x2;
	[tilespmem:s0+$0x13D80] =	vst v1;
	v0 =	vld [tilespmem:s2+$0xBD80];
	s2 =	sshra.s32 s9, $0x2  }
0x2af: {  	s9 =	sadd.s32 $0x20, s11;
	v1 =	vld [tilespmem:s3+$0xBD80];
	s3 =	sand.u32 $0xFFFFFE00, s10;
	s14 =	sadd.s32 s0, s2  }
0x2b0: {  	s2 =	sand.u32 $0x7F, s9;
	s9 =	sshll.u32 s9, $0x2;
	s10 =	sshll.u32 s15, $0x2;
	v5 =	vld [tilespmem:s7+$0xFFFFFFD0]  }
0x2b1: {  	s9 =	sand.u32 $0xFFFFFE00, s9;
	s2 =	sshll.u32 s2, $0x2;
	s15 =	sor.u32 s10, s3  }
0x2b2: {  	s3 =	smov.u32 s7;
	s2 =	sor.u32 s2, s9;
	s9 =	sshra.s32 s15, $0x2;
	v2 =	vadd.f32 v4, v2  }
.Ltmp9:
0x2b3: {  	s2 =	sshra.s32 s2, $0x2;
	s10 =	spop (v2sf);
	v3 =	vadd.f32 v3, v0;
	(pc) =	sbr.rel @p0 .LBB2_20-.Ltmp9, $4  }
0x2b4: {  	s2 =	sadd.s32 s0, s2;
	s15 =	sand.u32 $0x7F, s10;
	s17 =	sshll.u32 s10, $0x2;
	[tilespmem:s0+$0x13E10] =	vst v2  }
0x2b5: {  	s17 =	sand.u32 $0xFFFFFE00, s17;
	s15 =	sshll.u32 s15, $0x2;
	v4 =	vadd.f32 v5, v1;
	v0 =	vld [tilespmem:s2+$0xBE00];
	s2 =	sor.u32 $0x60, s1;
	[tilespmem:s16+$0x13DB0] =	vst v3  }
0x2b6: {  	s8 =	sadd.s32 $0x400, s8;
	s7 =	sadd.s32 $0x80, s7;
	s15 =	sor.u32 s15, s17;
	v2 =	vld [tilespmem:s2+$0x4B80]  }
0x2b7: {  	s13 =	sadd.s32 $0x2, s13;
	s2 =	sadd.s32 $0x30, s11;
	v1 =	vld [tilespmem:s7+$0xFFFFFFC0];
	[tilespmem:s0+$0x13D90] =	vst v4;
	s11 =	spop (v2sf)  }
0x2b8: {  	s12 =	sand.u32 $0x7F, s11;
	s13 =	sshll.u32 s11, $0x2;
	s8 =	sshra.s32 s8, $0x2  }
0x2b9: {  	s15 =	sshra.s32 s15, $0x2;
	s13 =	sand.u32 $0xFFFFFE00, s13;
	s12 =	sshll.u32 s12, $0x2  }
0x2ba: {  	s16 =	sadd.s32 s8, s15;
	s12 =	sor.u32 s12, s13  }
0x2bb: {  	v5 =	vld [tilespmem:s16+$0xBD80];
	s12 =	sshra.s32 s12, $0x2  }
0x2bc: {  	v3 =	vld [tilespmem:s7+$0x0];
	s17 =	sadd.s32 $0x10, s11;
	s19 =	sadd.s32 $0x10, s10;
	s12 =	sadd.s32 s8, s12  }
0x2bd: {  	s18 =	sand.u32 $0x7F, s17;
	s15 =	sshll.u32 s19, $0x2;
	v4 =	vld [tilespmem:s12+$0xBE00]  }
0x2be: {  	s13 =	sshll.u32 s17, $0x2;
	s16 =	sand.u32 $0x7F, s19;
	s20 =	sand.u32 $0xFFFFFE00, s15  }
0x2bf: {  	s13 =	sand.u32 $0xFFFFFE00, s13;
	s21 =	sshll.u32 s16, $0x2;
	s12 =	sshll.u32 s18, $0x2  }
0x2c0: {  	s12 =	sor.u32 s12, s13;
	s13 =	sor.u32 s21, s20;
	v1 =	vadd.f32 v1, v5  }
0x2c1: {  	s13 =	sshra.s32 s13, $0x2  }
0x2c2: {  	s13 =	sadd.s32 s8, s13;
	[tilespmem:s8+$0x13D80] =	vst v1;
	v3 =	vadd.f32 v3, v4  }
0x2c3: {  	s12 =	sshra.s32 s12, $0x2;
	v1 =	vld [tilespmem:s13+$0xBD80]  }
0x2c4: {  	s22 =	sadd.s32 s8, s12;
	s12 =	sadd.s32 $0x80, s1;
	v51 =	vld [tilespmem:s7+$0xFFFFFFD0];
	[tilespmem:s8+$0x13E00] =	vst v3  }
0x2c5: {  	s23 =	sor.u32 $0x50, s12;
	v3 =	vld [tilespmem:s22+$0xBE00]  }
0x2c6: {  	s26 =	sadd.s32 $0x20, s10;
	v50 =	vld [tilespmem:s23+$0x4B80]  }
0x2c7: {  	s28 =	sand.u32 $0x7F, s26;
	s16 =	sshll.u32 s26, $0x2  }
0x2c8: {  	s24 =	sadd.s32 $0x20, s11;
	s29 =	sshll.u32 s28, $0x2;
	s30 =	sand.u32 $0xFFFFFE00, s16  }
0x2c9: {  	v52 =	vld [tilespmem:s14+$0xBD80];
	s25 =	sand.u32 $0x7F, s24;
	s14 =	sor.u32 s29, s30;
	s13 =	sshll.u32 s24, $0x2;
	v1 =	vadd.f32 v51, v1  }
0x2ca: {  	v6 =	vld [tilespmem:s3+$0xFFFFFFE0];
	s15 =	sshll.u32 s25, $0x2;
	s14 =	sshra.s32 s14, $0x2;
	s13 =	sand.u32 $0xFFFFFE00, s13  }
0x2cb: {  	s14 =	sadd.s32 s8, s14;
	s13 =	sor.u32 s15, s13;
	[tilespmem:s8+$0x13D90] =	vst v1;
	v3 =	vadd.f32 v50, v3  }
0x2cc: {  	s31 =	sand.u32 $0x7F, s2;
	s13 =	sshra.s32 s13, $0x2;
	v1 =	vld [tilespmem:s14+$0xBD80]  }
0x2cd: {  	s9 =	sadd.s32 s0, s9;
	s19 =	sadd.s32 $0x30, s11;
	s13 =	sadd.s32 s8, s13;
	v54 =	vld [tilespmem:s7+$0xFFFFFFE0];
	[tilespmem:s8+$0x13E10] =	vst v3  }
0x2ce: {  	v0 =	vadd.f32 v2, v0;
	s11 =	sshll.u32 s19, $0x2;
	s18 =	sshll.u32 s31, $0x2;
	s17 =	sor.u32 $0x60, s12;
	v3 =	vld [tilespmem:s13+$0xBE00]  }
0x2cf: {  	v55 =	vadd.f32 v6, v52;
	s20 =	sand.u32 $0x7F, s19;
	s24 =	sadd.s32 $0x30, s10;
	s15 =	sshll.u32 s2, $0x2;
	v53 =	vld [tilespmem:s17+$0x4B80]  }
0x2d0: {  	[tilespmem:s0+$0x13E20] =	vst v0;
	s21 =	sor.u32 $0x70, s1;
	s1 =	sshll.u32 s24, $0x2;
	s2 =	sand.u32 $0xFFFFFE00, s15  }
0x2d1: {  	v57 =	vld [tilespmem:s21+$0x4B80];
	[tilespmem:s0+$0x13DA0] =	vst v55;
	s25 =	sand.u32 $0x7F, s24;
	s1 =	sand.u32 $0xFFFFFE00, s1;
	s2 =	sor.u32 s18, s2  }
0x2d2: {  	v59 =	vld [tilespmem:s3+$0xFFFFFFF0];
	s3 =	sshll.u32 s25, $0x2;
	s22 =	sand.u32 $0xFFFFFE00, s11;
	s2 =	sshra.s32 s2, $0x2;
	v61 =	vadd.f32 v54, v1  }
0x2d3: {  	v60 =	vld [tilespmem:s9+$0xBD80];
	s23 =	sshll.u32 s20, $0x2;
	s1 =	sor.u32 s3, s1;
	s2 =	sadd.s32 s0, s2  }
0x2d4: {  	s1 =	sshra.s32 s1, $0x2;
	v56 =	vld [tilespmem:s2+$0xBE00];
	s2 =	sor.u32 s23, s22;
	[tilespmem:s8+$0x13DA0] =	vst v61;
	v58 =	vadd.f32 v53, v3  }
0x2d5: {  	s1 =	sadd.s32 s8, s1;
	s2 =	sshra.s32 s2, $0x2;
	v0 =	vld [tilespmem:s7+$0xFFFFFFF0]  }
0x2d6: {  	s2 =	sadd.s32 s8, s2;
	v7 =	vld [tilespmem:s1+$0xBD80];
	[tilespmem:s8+$0x13E20] =	vst v58  }
0x2d7: {  	s26 =	sor.u32 $0x70, s12;
	v62 =	vld [tilespmem:s2+$0xBE00]  }
0x2d8: {  	v63 =	vld [tilespmem:s26+$0x4B80];
	_ =	sdelay $0x1  }
0x2d9: {  	v4 =	vadd.f32 v57, v56  }
0x2da: {  	v3 =	vadd.f32 v59, v60  }
0x2db: {  	[tilespmem:s0+$0x13E30] =	vst v4;
	v0 =	vadd.f32 v0, v7  }
0x2dc: {  	[tilespmem:s0+$0x13DB0] =	vst v3;
	v1 =	vadd.f32 v63, v62  }
0x2dd: {  	[tilespmem:s8+$0x13DB0] =	vst v0  }
0x2de: {  	s28 =	simm.s32 $0x13D80;
	[tilespmem:s8+$0x13E30] =	vst v1  }
0x2df: {  	s29 =	simm.s32 $0x3;
	s8 =	simm.s32 $0x0;
	s0 =	rddreg [dreg:$0xc]  }
0x2e0: {  	[hbm4b:s0+s8] =	stream.linear.scatter [tilespmem:s28], [sflag:$0x4], $0x4000, $0x38;
	[tilespmem:$0x17D80] =	vst v63  }
0x2e1: {  	_ =	swait.ge [sflag:s29], $0x4000  }
0x2e2: {  	[sflag:s29] =	ssyncset.done $0x0  }
0x2e3: {  	s30 =	simm.s32 $0x4;
	[sflag:s29] =	ssyncadd.s32 $0xFFFFC000  }
0x2e4: {  	_ =	swait.ge [sflag:s30], $0x4000  }
0x2e5: {  	s20 =	rddreg [dreg:$0xe]  }
0x2e6: {  	s31 =	rddreg [dreg:$0xd];
	s20 =	sadd.s32 $0x1, s20  }
0x2e7: {  	p0 =	sne.s32 s20, s31  }
.Ltmp10:
0x2e8: {  	_ = 	snop;
	(pc) =	sbr.rel @p0 .LBB2_1-.Ltmp10, $4  }
.Ltmp11:
0x2e9: {  	_ = 	snop;
	(pc) =	sbr.rel @!p0 .LBB2_22-.Ltmp11, $4  }
0x2ea: {  	_ = 	snop  }
0x2eb: {  	[sflag:s30] =	ssyncset.done $0x0  }
0x2ec: {  	[sflag:s30] =	ssyncadd.s32 $0xFFFFC000  }
0x2ed: {  	_ = 	snop  }
.LBB2_6:
.Ltmp12:
0x2ee: {  	(pc) =	sbr.rel .LBB2_11-.Ltmp12, $2  }
0x2ef: {  	_ =	sdelay $0x2  }
0x2f0: {  	s28 =	simm.s32 $0x0;
	s9 =	simm.s32 $0x0  }
.LBB2_8:
.Ltmp13:
0x2f1: {  	(pc) =	sbr.rel .LBB2_11-.Ltmp13, $2  }
0x2f2: {  	_ =	sdelay $0x2  }
0x2f3: {  	s28 =	simm.s32 $0x0;
	s3 =	smov.u32 s16;
	s16 =	smov.u32 s10  }
.LBB2_22:
0x2f4: {  	_ =	sfence.sel $0x180000  }
0x2f5: {  	[bflag:$0x0] =	sbarrier.arrive $0xFFFF  }
0x2f6: {  	_ =	strace $0x90000047  }
0x2f7: {  	s0 =	stileid.u32;
	[bflag:$0x2] =	sbarrier.arrive $0xFFFF  }
0x2f8: {  	p0 =	sne.s32 s0, $0x0;
	s0 =	rddreg [dreg:$0x2]  }
0x2f9: {  	s0 =	sadd.s32 @!p0 $0x100000, s0  }
0x2fa: {  	[sflag:s0] =	ssyncadd.tile.s32 @!p0 $0x1;
	_ =	shalt  }
.Lfunc_end2:
_tile_overlayer_lowered:
.L_overlay_start_2:
0x2fb: {  	(tag) =	ssettag $0x2  }
0x2fc: {  	s0 =	rddreg [dreg:$0x0];
	s2 =	stileid.u32  }
0x2fd: {  	s1 =	rddreg [dreg:$0x1];
	p0 =	sne.s32 s2, $0x0  }
0x2fe: {  	s3 =	rddreg [dreg:$0x2];
	[bflag:$0x3] =	sbarrier.arrive $0xFFFF;
	s2 =	simm.s32 @!p0 $0x1C05  }
0x2ff: {  	[timem:s3], [sflag:s2] =	dma.local @!p0 [hbm:s0], s1  }
0x300: {  	s0 =	simm.s32 @!p0 $0x5  }
0x301: {  	_ =	swait.ge @!p0 [sflag:s0], s1  }
0x302: {  	s1 =	ssub.s32 @!p0 $0x0, s1;
	[sflag:s0] =	ssyncset.done @!p0 $0x0  }
0x303: {  	[sflag:s0] =	ssyncadd.s32 @!p0 s1  }
0x304: {  	[bflag:$0x3] =	sbarrier.arrive $0xFFFF  }
0x305: {  	_ =	shalt  }

// kernel: sparse-core-data-format-call.cloned.1.call-start
scs
called_computation_lowered:
.L_overlay_start_0:
0x0: {  	s2 =	sld [smem:$0x3FD9]  }
0x1: {  	s3 =	sld [smem:$0x3FFE];
	_ =	sdelay $0x1  }
0x2: {  	s1 =	srdreg.scid  }
0x3: {  	s0 =	sand.u32 $0x1, s1  }
0x4: {  	s18 =	sshll.u32 s0, $0xA;
	s2 =	sadd.s32 s3, s2  }
0x5: {  	s2 =	sadd.s32 s2, s18  }
0x6: {  	[smem:$0x3FC6] =	sst s2  }
0x7: {  	_ = 	snop  }
0x8: {  	s2 =	sld [smem:$0x3FD0];
	(tm) =	ssettm $0x1  }
0x9: {  	s19 =	sld [smem:$0x3FFB];
	_ =	sdelay $0x3  }
0xa: {  	_ =	strace s19  }
0xb: {  	s3 =	sld [smem:$0x3FFC];
	_ =	sdelay $0x3  }
0xc: {  	_ =	strace s3  }
0xd: {  	s3 =	sld [smem:$0x3FFD];
	_ =	sdelay $0x3  }
0xe: {  	_ =	strace s3  }
0xf: {  	_ =	strace $0x8FFFFFFF  }
0x10: {  	s20 =	sld [smem:$0x3FDB];
	_ =	sdelay $0x1  }
0x11: {  	s4 =	simm.s32 $_scs_section_size  }
0x12: {  	s5 =	simm.s32 $_size__tile_overlayer_lowered;
	s6 =	simm.s32 $_tile_overlayer_lowered  }
0x13: {  	s23 =	simm.s32 $0x1BFF;
	s22 =	sshll.u32 s6, $0x1;
	s3 =	sadd.s32 s4, s20  }
0x14: {  	s7 =	simm.s32 $0x0;
	s21 =	sshll.u32 s5, $0x1;
	s5 =	sadd.s32 s22, s3  }
0x15: {  	[timem:s7], [sflag:s23] =	dma.local [hbm:s5], s21  }
0x16: {  	_ =	swait.ge [sflag:s23], s21  }
0x17: {  	s4 =	ssub.s32 $0x0, s21;
	[sflag:s23] =	ssyncset.done $0x0  }
0x18: {  	[sflag:s23] =	ssyncadd.s32 s4;
	_ =	sdelay $0x1  }
0x19: {  	s24 =	simm.s32 $0x1B8B  }
0x1a: {  	_ =	swait.ge [sflag:s24], $0x1  }
0x1b: {  	[sflag:s24] =	ssyncset.done $0x0  }
0x1c: {  	s26 =	simm.s32 $0x1B8E;
	s25 =	sld [smem:$0x3FFE];
	[sflag:s24] =	ssyncadd.s32 $0xFFFFFFFF  }
0x1d: {  	s27 =	simm.s32 $execute0_lowered;
	[smem:$0x3FD2] =	sst s26  }
0x1e: {  	s5 =	sshll.u32 s27, $0x1;
	_ =	strace $0x80000049;
	[dreg:$0x1] =	wrdreg $0xFFFFFFFF  }
0x1f: {  	s28 =	simm.s32 $_size_execute0_lowered;
	s3 =	sadd.s32 s3, s5;
	[dreg:$0x0] =	wrdreg $0x0  }
0x20: {  	s5 =	sshll.u32 s28, $0x1;
	[dreg:$0x2] =	wrdreg s3  }
0x21: {  	[dreg:$0x3] =	wrdreg s5  }
0x22: {  	[dreg:$0x4] =	wrdreg $0xC0  }
0x23: {  	_ =	task [dreg:s7], $0x5FFFF  }
0x24: {  	[dreg:$0x1] =	wrdreg $0xFFFFFFFF  }
0x25: {  	[dreg:$0x0] =	wrdreg $0x60  }
0x26: {  	[dreg:$0x2] =	wrdreg s25  }
0x27: {  	[dreg:$0x3] =	wrdreg s2  }
0x28: {  	[dreg:$0x4] =	wrdreg $0x9  }
0x29: {  	_ =	task.clear_ibuf [dreg:s7], $0x5FFFF;
	_ =	strace $0x90000049  }
0x2a: {  	s29 =	simm.s32 $0x9;
	_ =	strace $0x8000004B  }
0x2b: {  	_ =	swait.ge [sflag:s29], $0x1  }
0x2c: {  	[sflag:s29] =	ssyncadd.s32 $0xFFFFFFFF  }
0x2d: {  	_ =	strace $0x9000004B  }
0x2e: {  	_ =	sfence  }
0x2f: {  	s30 =	sld [smem:$0x0];
	_ =	sdelay $0x2  }
0x30: {  	s31 =	sshll.u32 s1, $0xD;
	s1 =	sshrl.u32 s1, $0x2  }
0x31: {  	s3 =	sand.u32 $0x4000, s31;
	s1 =	sadd.s32 s1, s30  }
0x32: {  	s0 =	sor.u32 s3, s0;
	s1 =	sshll.u32 s1, $0x11  }
0x33: {  	s0 =	sor.u32 s1, s0  }
0x34: {  	s0 =	sadd.s32 $0x8F2B, s0  }
0x35: {  	[sflag:s0] =	ssyncadd.remote.s32 $0x1  }
0x36: {  	_ =	sfence.sel $0xFFFF  }
0x37: {  	[dreg:$0x0] =	wrdreg $0xFFFFFFFF;
	(pc) =	sbr.abs _section_cstart, $3  }
0x38: {  	[dreg:$0x1] =	wrdreg $0xFFFFFFFF  }
0x39: {  	_ =	task.clear_ibuf [dreg:s7], $0x2FFFF;
	_ =	strace $0x9FFFFFFF  }
0x3a: {  	(tm) =	ssettm $0x7FFFFFFF  }
0x3b: {  	_ =	shalt  }
tec
execute0_lowered:
.L_overlay_start_1:
0x0: {  	(tag) =	ssettag $0x1  }
0x1: {  	s0 =	stileid.u32;
	s6 =	rddreg [dreg:$0x0]  }
0x2: {  	s2 =	rddreg [dreg:$0x1];
	s5 =	srdreg.scid  }
0x3: {  	s31 =	simm.s32 $0x2;
	s13 =	simm.s32 $0x0;
	s1 =	sshll.u32 s0, $0x7  }
0x4: {  	s14 =	simm.s32 $0x0;
	s12 =	simm.s32 $0x0;
	s3 =	sand.u32 $0x380, s1  }
0x5: {  	s5 =	sshll.u32 s5, $0x4;
	s6 =	sadd.s32 $0xC00, s6;
	s4 =	ssub.s32 $0x400, s3  }
0x6: {  	s1 =	rddreg [dreg:$0x2];
	_ =	strace $0x8000004A;
	s7 =	sand.u32 $0x380, s4  }
0x7: {  	s5 =	sand.u32 $0x10, s5;
	p0 =	sne.s32 s7, $0x0;
	s7 =	simm.s32 $0x1  }
.Ltmp0:
0x8: {  	s8 =	sshrl.u32 s4, $0xA;
	s7 =	simm.s32 @!p0 $0x0;
	(pc) =	sbr.rel .LBB1_1-.Ltmp0, $4  }
0x9: {  	s9 =	sor.u32 s0, s5;
	s4 =	simm.s32 $0x1;
	s30 =	sadd.s32 s7, s8  }
0xa: {  	s11 =	smov.u32 s3;
	[sflag:s4] =	ssyncpa.u1 $0x0;
	s5 =	smul.u32 $0x32, s30  }
0xb: {  	[sflag:s31] =	ssyncpa.u1 $0x0;
	p0 =	por $0x0, $0x0;
	s7 =	sshrl.u32 s9, $0x3  }
0xc: {  	s9 =	simm.s32 $0x2000;
	s10 =	smov.u32 s7;
	s8 =	sor.u32 $0x1, s5  }
.LBB1_4:
0xd: {  	s17 =	sand.u32 $0x1F80, s14;
	s13 =	sshll.u32 s13, $0xD  }
0xe: {  	[tilespmem:s16+$0x810 ss:$0x81] =	vst.msk $0xffff, v2;
	s18 =	sshrl.u32 s14, $0x3;
	s31 =	sand.u32 $0x7, s14;
	s17 =	sadd.s32 s2, s17  }
0xf: {  	[tilespmem:s16+$0x1020 ss:$0x81] =	vst.msk $0xffff, v0;
	s18 =	sand.u32 $0xF, s18;
	s14 =	sshll.u32 s31, $0x12;
	s13 =	sadd.s32 s13, s17  }
0x10: {  	[tilespmem:s16+$0x0 ss:$0x81] =	vst.msk $0xffff, v1;
	s14 =	sor.u32 $0x400, s14;
	s13 =	sadd.s32 s18, s13  }
0x11: {  	[hbm4b:s13+s14] =	stream.strided.scatter [tilespmem:s15], [sflag:$0x2], $0x2000, s9, s14, $0x20;
	[tilespmem:$0x8080] =	vst v63  }
.LBB1_5:
0x12: {  	s15 =	sadd.s32 $0x4, s10  }
0x13: {  	s13 =	sadd.s32 $0x400, s11;
	s17 =	smov.u32 s11;
	p2 =	sgt.s32 s15, $0xC7  }
0x14: {  	s17 =	smov.u32 @p2 s13  }
0x15: {  	s15 =	smov.u32 @p2 s7;
	p2 =	sgt.s32 s17, $0x3FF  }
0x16: {  	s17 =	smov.u32 @p2 s3;
	p2 =	sne.s32 s12, s8  }
.Ltmp1:
0x17: {  	p1 =	slt.u32 s12, $0x2;
	(pc) =	sbr.rel @!p2 .LBB1_6-.Ltmp1, $4  }
0x18: {  	s16 =	simm.s32 @!p1 $0x2  }
0x19: {  	s14 =	smov.u32 s11;
	p0 =	por !p0, !p0;
	_ =	swait.ge @!p1 [sflag:s16], $0x2000  }
0x1a: {  	s13 =	smov.u32 s10;
	[sflag:s16] =	ssyncset.done @!p1 $0x0;
	s10 =	smov.u32 s15  }
0x1b: {  	s12 =	sadd.s32 $0x1, s12;
	[sflag:s16] =	ssyncadd.s32 @!p1 $0xFFFFE000;
	s11 =	smov.u32 s17  }
.LBB1_1:
0x1c: {  	p1 =	sge.u32 s12, s5  }
0x1d: {  	s15 =	sand.u32 @!p1 $0x1FFFFFF, s10  }
0x1e: {  	s16 =	smulhi.u32 @!p1 $0x147AE15, s15;
	_ =	sdelay $0x1  }
0x1f: {  	s16 =	smul.u32 @!p1 $0xC8, s16  }
0x20: {  	s17 =	sxor.u32 @!p1 $0xFFFFFFFF, s12;
	s18 =	smul.u32 @!p1 $0xC80, s11  }
0x21: {  	s31 =	sadd.s32 $0xFFFFFFFF, s12;
	s17 =	sshll.u32 @!p1 s17, $0xD;
	s15 =	ssub.s32 @!p1 s15, s16  }
0x22: {  	s16 =	sand.u32 @!p1 $0x2000, s17;
	s17 =	sadd.s32 @!p1 s6, s18;
	s15 =	sshll.u32 @!p1 s15, $0x4  }
0x23: {  	s18 =	simm.s32 @!p1 $0x6400;
	s15 =	sadd.s32 @!p1 s15, s17;
	s17 =	simm.s32 @!p1 $0x40  }
0x24: {  	[tilespmem:s16], [sflag:$0x1] =	stream.strided.gather @!p1 [hbm4b:s15+s17], $0x2000, s18, s17, $0x38;
	[tilespmem:$0x8080] =	vst v63  }
0x25: {  	p1 =	sge.u32 s31, s5  }
.Ltmp2:
0x26: {  	_ = 	snop;
	(pc) =	sbr.rel @p1 .LBB1_5-.Ltmp2, $1  }
0x27: {  	_ =	sdelay $0x3  }
0x28: {  	s15 =	simm.s32 $0x1  }
0x29: {  	_ =	swait.ge [sflag:s4], $0x2000;
	s15 =	simm.s32 @!p0 $0x0  }
0x2a: {  	[sflag:s4] =	ssyncset.done $0x0;
	s16 =	sshll.u32 s15, $0xD  }
0x2b: {  	[sflag:s4] =	ssyncadd.s32 $0xFFFFE000;
	s19 =	sor.u32 $0x20, s16  }
0x2c: {  	s15 =	smul.u32 $0x8100, s15;
	v3 =	vld [tilespmem:s19+$0x10]  }
0x2d: {  	s30 =	sand.u32 $0x1, s12;
	v2 =	vld [tilespmem:s19+$0xFFFFFFF0]  }
0x2e: {  	s16 =	smul.u32 $0x8100, s30;
	s15 =	sshrl.u32 s15, $0x2;
	v0 =	vld [tilespmem:s19+$0x0]  }
0x2f: {  	v1 =	vld [tilespmem:s19+$0xFFFFFFE0];
	s17 =	sor.u32 $0x4000, s15  }
0x30: {  	s31 =	sshrl.u32 s16, $0x2;
	s16 =	sadd.s32 $0x0, s17  }
0x31: {  	s18 =	simm.s32 $0x4;
	s19 =	sadd.s32 $0x40, s19;
	s15 =	sor.u32 $0x4000, s31;
	[tilespmem:s16+$0x1830 ss:$0x81] =	vst.msk $0xffff, v3  }
.LBB1_3:
0x32: {  	v3 =	vld [tilespmem:s19+$0x10];
	p1 =	sne.s32 s18, $0x1FC;
	[tilespmem:s16+$0x810 ss:$0x81] =	vst.msk $0xffff, v2;
	s20 =	smov.u32 s18;
	s18 =	sadd.s32 $0x4, s18  }
.Ltmp3:
0x33: {  	v2 =	vld [tilespmem:s19+$0xFFFFFFF0];
	[tilespmem:s16+$0x1020 ss:$0x81] =	vst.msk $0xffff, v0;
	(pc) =	sbr.rel @p1 .LBB1_3-.Ltmp3, $4  }
0x34: {  	v0 =	vld [tilespmem:s19+$0x0];
	[tilespmem:s16+$0x0 ss:$0x81] =	vst.msk $0xffff, v1  }
0x35: {  	s16 =	sshra.s32 s20, $0x2;
	v1 =	vld [tilespmem:s19+$0xFFFFFFE0]  }
0x36: {  	s16 =	sadd.s32 s16, s17  }
0x37: {  	s19 =	sadd.s32 $0x40, s19;
	[tilespmem:s16+$0x1830 ss:$0x81] =	vst.msk $0xffff, v3  }
.Ltmp4:
0x38: {  	_ = 	snop;
	(pc) =	sbr.rel .LBB1_4-.Ltmp4, $1  }
0x39: {  	_ =	sdelay $0x3  }
.LBB1_6:
0x3a: {  	_ =	sfence.sel $0x180000  }
0x3b: {  	s2 =	simm.s32 $0x1;
	[bflag:$0x0] =	sbarrier.arrive $0xFFFF  }
0x3c: {  	s31 =	simm.s32 $0x2;
	[sflag:s2] =	ssyncpa.u1 $0x1  }
0x3d: {  	[sflag:s31] =	ssyncpa.u1 $0x1  }
0x3e: {  	p0 =	sne.s32 s0, $0x0;
	_ =	strace $0x9000004A  }
0x3f: {  	s0 =	sadd.s32 @!p0 $0x100000, s1;
	[bflag:$0x2] =	sbarrier.arrive $0xFFFF  }
0x40: {  	[sflag:s0] =	ssyncadd.tile.s32 @!p0 $0x1;
	_ =	shalt  }
.Lfunc_end1:
_tile_overlayer_lowered:
.L_overlay_start_2:
0x41: {  	(tag) =	ssettag $0x2  }
0x42: {  	s0 =	rddreg [dreg:$0x0];
	s2 =	stileid.u32  }
0x43: {  	s1 =	rddreg [dreg:$0x1];
	p0 =	sne.s32 s2, $0x0  }
0x44: {  	s3 =	rddreg [dreg:$0x2];
	[bflag:$0x3] =	sbarrier.arrive $0xFFFF;
	s2 =	simm.s32 @!p0 $0x1C01  }
0x45: {  	[timem:s3], [sflag:s2] =	dma.local @!p0 [hbm:s0], s1  }
0x46: {  	s0 =	simm.s32 @!p0 $0x1  }
0x47: {  	_ =	swait.ge @!p0 [sflag:s0], s1  }
0x48: {  	s1 =	ssub.s32 @!p0 $0x0, s1;
	[sflag:s0] =	ssyncset.done @!p0 $0x0  }
0x49: {  	[sflag:s0] =	ssyncadd.s32 @!p0 s1  }
0x4a: {  	[bflag:$0x3] =	sbarrier.arrive $0xFFFF  }
0x4b: {  	_ =	shalt  }

</sc_bundles>
